<compile_context>
chip_gen: v7x
topology: tpu7x:2x2x1
jax: 0.10.2.dev20260603
libtpu: 0.0.44.dev20260713+nightly
codegen_flags: <defaults>
</compile_context>

<pallas_src>
import functools

import jax
import jax.numpy as jnp
from jax import lax
from jax.experimental import pallas as pl
from jax.experimental.pallas import tpu as pltpu
from jax.experimental.pallas import tpu_sc as plsc

_K = 1024
_D = 64
_BETA = 0.25
_KC = 256

_NC = 2
_NS = 16
_NW = _NC * _NS
_CH = 128
_NBUF = 4


def _argmin_body(xt_ref, xsq_ref, w_ref, wsq_ref, kio_ref, idx_ref, loss_ref,
                 acc_ref, *, n_tokens, r):
    x2t = xt_ref[0] * 2.0
    xsq_row = xsq_ref[0]

    big = float(2 * _K)
    run_min8 = jnp.full((8, r), jnp.inf, dtype=jnp.float32)
    run_k8 = jnp.zeros((8, r), dtype=jnp.float32)
    for c in range(_K // _KC):
        wc = w_ref[c * _KC:(c + 1) * _KC, :]
        wsq_c = wsq_ref[c * _KC:(c + 1) * _KC, :]
        mm2 = lax.dot_general(wc, x2t, (((1,), (0,)), ((), ())),
                              preferred_element_type=jnp.float32)
        dist = (xsq_row + wsq_c) - mm2
        d3 = dist.reshape(_KC // 8, 8, r)
        cmin8 = jnp.min(d3, axis=0)
        kio_c = kio_ref[c * (_KC // 8):(c + 1) * (_KC // 8), :][:, :, None]
        ck8 = jnp.min(jnp.where(d3 == cmin8[None], kio_c, big), axis=0)
        better = cmin8 < run_min8
        run_k8 = jnp.where(better, ck8, run_k8)
        run_min8 = jnp.where(better, cmin8, run_min8)

    gmin = jnp.min(run_min8, axis=0)
    kbest = jnp.min(jnp.where(run_min8 == gmin[None, :], run_k8, big), axis=0)
    idx_ref[...] = kbest.astype(jnp.int32)[None, None, :]

    @pl.when(pl.program_id(0) == 0)
    def _init():
        acc_ref[0, 0] = 0.0

    acc_ref[0, 0] += jnp.sum(gmin)
    scale = (1.0 + _BETA) / (n_tokens * _D)
    loss_ref[...] = jnp.broadcast_to(acc_ref[0, 0] * scale, (1, 1))


def _gather_body(w_hbm, idx_hbm, out_hbm, idx_v, rows, gsems, wsems, *, chunks):
    wid = lax.axis_index("s") * _NC + lax.axis_index("c")
    base = wid * (chunks * _CH)
    pltpu.sync_copy(idx_hbm.at[pl.ds(base, chunks * _CH)], idx_v)
    gcps = [None] * _NBUF
    wcps = [None] * _NBUF
    for j in range(chunks):
        b = j % _NBUF
        if wcps[b] is not None:
            wcps[b].wait()
        gcps[b] = pltpu.async_copy(
            w_hbm.at[idx_v.at[pl.ds(j * _CH, _CH)]], rows[b], gsems[b])
        if j >= _NBUF - 1:
            jw = j - (_NBUF - 1)
            bw = jw % _NBUF
            gcps[bw].wait()
            wcps[bw] = pltpu.async_copy(
                rows[bw], out_hbm.at[pl.ds(base + jw * _CH, _CH)], wsems[bw])
    for jw in range(max(chunks - _NBUF + 1, 0), chunks):
        bw = jw % _NBUF
        gcps[bw].wait()
        wcps[bw] = pltpu.async_copy(
            rows[bw], out_hbm.at[pl.ds(base + jw * _CH, _CH)], wsems[bw])
    for b in range(_NBUF):
        if wcps[b] is not None:
            wcps[b].wait()


def kernel(latents, W):
    lat = latents.reshape(-1, latents.shape[-2], _D)
    flat = lat.reshape(-1, _D)
    n = flat.shape[0]
    nb, node = lat.shape[0], lat.shape[1]
    latT = jnp.transpose(lat, (0, 2, 1))
    xsq = jnp.sum(flat ** 2, axis=1).reshape(nb, 1, node)
    wsq = jnp.sum(W ** 2, axis=1)[:, None]
    kio = jnp.arange(_K, dtype=jnp.float32).reshape(_K // 8, 8)

    grid = (nb,)
    idx, loss = pl.pallas_call(
        functools.partial(_argmin_body, n_tokens=n, r=node),
        grid=grid,
        in_specs=[
            pl.BlockSpec((1, _D, node), lambda i: (i, 0, 0)),
            pl.BlockSpec((1, 1, node), lambda i: (i, 0, 0)),
            pl.BlockSpec((_K, _D), lambda i: (0, 0)),
            pl.BlockSpec((_K, 1), lambda i: (0, 0)),
            pl.BlockSpec((_K // 8, 8), lambda i: (0, 0)),
        ],
        out_specs=[
            pl.BlockSpec((1, 1, node), lambda i: (i, 0, 0)),
            pl.BlockSpec((1, 1), lambda i: (0, 0)),
        ],
        out_shape=[
            jax.ShapeDtypeStruct((nb, 1, node), jnp.int32),
            jax.ShapeDtypeStruct((1, 1), jnp.float32),
        ],
        scratch_shapes=[pltpu.SMEM((1, 1), jnp.float32)],
    )(latT, xsq, W, wsq, kio)
    idx = idx.reshape(n)

    chunks = n // (_NW * _CH)
    mesh = plsc.VectorSubcoreMesh(core_axis_name="c", subcore_axis_name="s")
    q = pl.kernel(
        functools.partial(_gather_body, chunks=chunks),
        mesh=mesh,
        out_type=jax.ShapeDtypeStruct((n, _D), jnp.float32),
        scratch_types=[
            pltpu.VMEM((chunks * _CH,), jnp.int32),
            [pltpu.VMEM((_CH, _D), jnp.float32) for _ in range(_NBUF)],
            [pltpu.SemaphoreType.DMA for _ in range(_NBUF)],
            [pltpu.SemaphoreType.DMA for _ in range(_NBUF)],
        ],
        compiler_params=pltpu.CompilerParams(use_tc_tiling_on_sc=False),
    )(W, idx)

    quantized_st = q.reshape(lat.shape)
    vq_loss = loss[0, 0]
    return (quantized_st, vq_loss)

# --- scband reference (transcript-rebuilt; emitter-appended) ---
"""Pipeline reference for scband-vector-quantizer-5609227288994 (READ-ONLY COPY).

The authoritative reference and input builder live on the scoring server;
editing this copy changes nothing except your own understanding.
"""

import jax, jax.numpy as jnp
import numpy as np

K = 1024
D = 64
NODE = 576
B = 64
BETA = 0.25

def setup_inputs(seed: int = 0) -> dict:
    key = jax.random.key(seed)
    k1, k2 = jax.random.split(key)
    latents = jax.random.normal(k1, (B, NODE, D), dtype=jnp.float32)
    W = jax.random.uniform(k2, (K, D), dtype=jnp.float32, minval=-1.0 / K, maxval=1.0 / K)
    return {"latents": latents, "W": W}

def reference(latents, W):
    lat = latents.reshape(-1, NODE, D)
    flat = lat.reshape(-1, D)
    dist = (jnp.sum(flat ** 2, axis=1, keepdims=True)
            + jnp.sum(W ** 2, axis=1)
            - 2.0 * jnp.matmul(flat, W.T))
    encoding_index = jnp.argmin(dist, axis=1)
    encoding_one_hot = jax.nn.one_hot(encoding_index, K, dtype=flat.dtype)
    quantized = jnp.matmul(encoding_one_hot, W).reshape(lat.shape)
    embedding_loss = jnp.mean((jax.lax.stop_gradient(lat) - quantized) ** 2)
    commitment_loss = jnp.mean((lat - jax.lax.stop_gradient(quantized)) ** 2)
    vq_loss = embedding_loss + BETA * commitment_loss
    quantized_st = lat + jax.lax.stop_gradient(quantized - lat)
    return (quantized_st, vq_loss)

if __name__ == "__main__":
    import jax
    _d = setup_inputs()
    print(jax.jit(kernel)(*tuple(_d.values())))

</pallas_src>

<mosaic_0001>
#map = affine_map<(d0, d1) -> (0, 0)>
#map1 = affine_map<(d0, d1) -> (0)>
module attributes {stable_mosaic.version = 14 : i64} {
  func.func @_gather_body(%arg0: i32, %arg1: i32, %arg2: memref<1024x64xf32, #tpu.memory_space<hbm>>, %arg3: memref<36864xi32, #tpu.memory_space<hbm>>, %arg4: memref<36864x64xf32, #tpu.memory_space<hbm>>, %arg5: memref<1152xi32, #tpu.memory_space<vmem>>, %arg6: memref<128x64xf32, #tpu.memory_space<vmem>>, %arg7: memref<128x64xf32, #tpu.memory_space<vmem>>, %arg8: memref<128x64xf32, #tpu.memory_space<vmem>>, %arg9: memref<128x64xf32, #tpu.memory_space<vmem>>, %arg10: memref<!tpu.dma_semaphore, #tpu.memory_space<semaphore_mem>>, %arg11: memref<!tpu.dma_semaphore, #tpu.memory_space<semaphore_mem>>, %arg12: memref<!tpu.dma_semaphore, #tpu.memory_space<semaphore_mem>>, %arg13: memref<!tpu.dma_semaphore, #tpu.memory_space<semaphore_mem>>, %arg14: memref<!tpu.dma_semaphore, #tpu.memory_space<semaphore_mem>>, %arg15: memref<!tpu.dma_semaphore, #tpu.memory_space<semaphore_mem>>, %arg16: memref<!tpu.dma_semaphore, #tpu.memory_space<semaphore_mem>>, %arg17: memref<!tpu.dma_semaphore, #tpu.memory_space<semaphore_mem>>) attributes {dimension_semantics = [#tpu.dimension_semantics<core_parallel>, #tpu.dimension_semantics<subcore_parallel>], iteration_bounds = array<i64: 2, 16>, scalar_prefetch = 0 : i64, scratch_operands = 13 : i64, tpu.core_type = #tpu.core_type<sc_vector_subcore>, window_params = [{transform_indices = #map}, {transform_indices = #map1}, {transform_indices = #map}]} {
    %mul3A = arith.constant 2 : i32
    %mul3A_0 = arith.muli %arg1, %mul3A : i32
    %add3A = arith.addi %mul3A_0, %arg0 : i32
    %mul3A_1 = arith.constant 1152 : i32
    %mul3A_2 = arith.muli %add3A, %mul3A_1 : i32
    "tpu.region"() ({
      %run_scoped3A = tpu.sem_alloc : memref<!tpu.dma_semaphore, #tpu.memory_space<semaphore_mem>>
      %dma_start3A_181 = tpu.memref_slice %arg3[%mul3A_2] : memref<36864xi32, #tpu.memory_space<hbm>> -> memref<1152xi32, #tpu.memory_space<hbm>>
      %dma_start3A_182 = tpu.memref_slice %arg3[%mul3A_2] : memref<36864xi32, #tpu.memory_space<hbm>> -> memref<1152xi32, #tpu.memory_space<hbm>>
      tpu.enqueue_dma source(%dma_start3A_182 : memref<1152xi32, #tpu.memory_space<hbm>>) target(%arg5 : memref<1152xi32, #tpu.memory_space<vmem>>) target_semaphore(%run_scoped3A : memref<!tpu.dma_semaphore, #tpu.memory_space<semaphore_mem>>)
      %dma_wait3A_183 = tpu.memref_slice %arg3[%mul3A_2] : memref<36864xi32, #tpu.memory_space<hbm>> -> memref<1152xi32, #tpu.memory_space<hbm>>
      %dma_wait3A_184 = tpu.memref_slice %arg3[%mul3A_2] : memref<36864xi32, #tpu.memory_space<hbm>> -> memref<1152xi32, #tpu.memory_space<hbm>>
      tpu.wait_dma2 semaphore(%run_scoped3A : memref<!tpu.dma_semaphore, #tpu.memory_space<semaphore_mem>>) src(%dma_wait3A_184 : memref<1152xi32, #tpu.memory_space<hbm>>) dst(%arg5 : memref<1152xi32, #tpu.memory_space<vmem>>)
      tpu.yield
    }) : () -> ()
    %dma_start3A = arith.constant 0 : i32
    %dma_start3A_3 = tpu.memref_slice %arg5[%dma_start3A] : memref<1152xi32, #tpu.memory_space<vmem>> -> memref<128xi32, #tpu.memory_space<vmem>>
    %dma_start3A_4 = arith.constant 0 : i32
    %dma_start3A_5 = arith.constant 0 : i32
    %dma_start3A_6 = tpu.memref_slice %arg2[%dma_start3A_4, %dma_start3A_5] : memref<1024x64xf32, #tpu.memory_space<hbm>> -> memref<1024x64xf32, #tpu.memory_space<hbm>>
    tpu.enqueue_indirect_dma source(%dma_start3A_6 : memref<1024x64xf32, #tpu.memory_space<hbm>>) target(%arg6 : memref<128x64xf32, #tpu.memory_space<vmem>>) offsets(%dma_start3A_3 : memref<128xi32, #tpu.memory_space<vmem>>) semaphore(%arg10 : memref<!tpu.dma_semaphore, #tpu.memory_space<semaphore_mem>>)
    %dma_start3A_7 = arith.constant 128 : i32
    %dma_start3A_8 = tpu.memref_slice %arg5[%dma_start3A_7] : memref<1152xi32, #tpu.memory_space<vmem>> -> memref<128xi32, #tpu.memory_space<vmem>>
    %dma_start3A_9 = arith.constant 0 : i32
    %dma_start3A_10 = arith.constant 0 : i32
    %dma_start3A_11 = tpu.memref_slice %arg2[%dma_start3A_9, %dma_start3A_10] : memref<1024x64xf32, #tpu.memory_space<hbm>> -> memref<1024x64xf32, #tpu.memory_space<hbm>>
    tpu.enqueue_indirect_dma source(%dma_start3A_11 : memref<1024x64xf32, #tpu.memory_space<hbm>>) target(%arg7 : memref<128x64xf32, #tpu.memory_space<vmem>>) offsets(%dma_start3A_8 : memref<128xi32, #tpu.memory_space<vmem>>) semaphore(%arg11 : memref<!tpu.dma_semaphore, #tpu.memory_space<semaphore_mem>>)
    %dma_start3A_12 = arith.constant 256 : i32
    %dma_start3A_13 = tpu.memref_slice %arg5[%dma_start3A_12] : memref<1152xi32, #tpu.memory_space<vmem>> -> memref<128xi32, #tpu.memory_space<vmem>>
    %dma_start3A_14 = arith.constant 0 : i32
    %dma_start3A_15 = arith.constant 0 : i32
    %dma_start3A_16 = tpu.memref_slice %arg2[%dma_start3A_14, %dma_start3A_15] : memref<1024x64xf32, #tpu.memory_space<hbm>> -> memref<1024x64xf32, #tpu.memory_space<hbm>>
    tpu.enqueue_indirect_dma source(%dma_start3A_16 : memref<1024x64xf32, #tpu.memory_space<hbm>>) target(%arg8 : memref<128x64xf32, #tpu.memory_space<vmem>>) offsets(%dma_start3A_13 : memref<128xi32, #tpu.memory_space<vmem>>) semaphore(%arg12 : memref<!tpu.dma_semaphore, #tpu.memory_space<semaphore_mem>>)
    %dma_start3A_17 = arith.constant 384 : i32
    %dma_start3A_18 = tpu.memref_slice %arg5[%dma_start3A_17] : memref<1152xi32, #tpu.memory_space<vmem>> -> memref<128xi32, #tpu.memory_space<vmem>>
    %dma_start3A_19 = arith.constant 0 : i32
    %dma_start3A_20 = arith.constant 0 : i32
    %dma_start3A_21 = tpu.memref_slice %arg2[%dma_start3A_19, %dma_start3A_20] : memref<1024x64xf32, #tpu.memory_space<hbm>> -> memref<1024x64xf32, #tpu.memory_space<hbm>>
    tpu.enqueue_indirect_dma source(%dma_start3A_21 : memref<1024x64xf32, #tpu.memory_space<hbm>>) target(%arg9 : memref<128x64xf32, #tpu.memory_space<vmem>>) offsets(%dma_start3A_18 : memref<128xi32, #tpu.memory_space<vmem>>) semaphore(%arg13 : memref<!tpu.dma_semaphore, #tpu.memory_space<semaphore_mem>>)
    %dma_wait3A = arith.constant 0 : i32
    %dma_wait3A_22 = tpu.memref_slice %arg5[%dma_wait3A] : memref<1152xi32, #tpu.memory_space<vmem>> -> memref<128xi32, #tpu.memory_space<vmem>>
    %dma_wait3A_23 = arith.constant 0 : i32
    %dma_wait3A_24 = arith.constant 0 : i32
    %dma_wait3A_25 = tpu.memref_slice %arg2[%dma_wait3A_23, %dma_wait3A_24] : memref<1024x64xf32, #tpu.memory_space<hbm>> -> memref<1024x64xf32, #tpu.memory_space<hbm>>
    tpu.wait_indirect_dma semaphore(%arg10 : memref<!tpu.dma_semaphore, #tpu.memory_space<semaphore_mem>>) src(%dma_wait3A_25 : memref<1024x64xf32, #tpu.memory_space<hbm>>) dst(%arg6 : memref<128x64xf32, #tpu.memory_space<vmem>>)
    %add3A_26 = arith.constant 0 : i32
    %add3A_27 = arith.addi %mul3A_2, %add3A_26 : i32
    %dma_start3A_28 = arith.constant 0 : i32
    %dma_start3A_29 = tpu.memref_slice %arg4[%add3A_27, %dma_start3A_28] : memref<36864x64xf32, #tpu.memory_space<hbm>> -> memref<128x64xf32, #tpu.memory_space<hbm>>
    %dma_start3A_30 = arith.constant 0 : i32
    %dma_start3A_31 = tpu.memref_slice %arg4[%add3A_27, %dma_start3A_30] : memref<36864x64xf32, #tpu.memory_space<hbm>> -> memref<128x64xf32, #tpu.memory_space<hbm>>
    tpu.enqueue_dma source(%arg6 : memref<128x64xf32, #tpu.memory_space<vmem>>) target(%dma_start3A_31 : memref<128x64xf32, #tpu.memory_space<hbm>>) target_semaphore(%arg14 : memref<!tpu.dma_semaphore, #tpu.memory_space<semaphore_mem>>)
    %dma_wait3A_32 = arith.constant 0 : i32
    %dma_wait3A_33 = tpu.memref_slice %arg4[%add3A_27, %dma_wait3A_32] : memref<36864x64xf32, #tpu.memory_space<hbm>> -> memref<128x64xf32, #tpu.memory_space<hbm>>
    %dma_wait3A_34 = arith.constant 0 : i32
    %dma_wait3A_35 = tpu.memref_slice %arg4[%add3A_27, %dma_wait3A_34] : memref<36864x64xf32, #tpu.memory_space<hbm>> -> memref<128x64xf32, #tpu.memory_space<hbm>>
    tpu.wait_dma2 semaphore(%arg14 : memref<!tpu.dma_semaphore, #tpu.memory_space<semaphore_mem>>) src(%arg6 : memref<128x64xf32, #tpu.memory_space<vmem>>) dst(%dma_wait3A_35 : memref<128x64xf32, #tpu.memory_space<hbm>>)
    %dma_start3A_36 = arith.constant 512 : i32
    %dma_start3A_37 = tpu.memref_slice %arg5[%dma_start3A_36] : memref<1152xi32, #tpu.memory_space<vmem>> -> memref<128xi32, #tpu.memory_space<vmem>>
    %dma_start3A_38 = arith.constant 0 : i32
    %dma_start3A_39 = arith.constant 0 : i32
    %dma_start3A_40 = tpu.memref_slice %arg2[%dma_start3A_38, %dma_start3A_39] : memref<1024x64xf32, #tpu.memory_space<hbm>> -> memref<1024x64xf32, #tpu.memory_space<hbm>>
    tpu.enqueue_indirect_dma source(%dma_start3A_40 : memref<1024x64xf32, #tpu.memory_space<hbm>>) target(%arg6 : memref<128x64xf32, #tpu.memory_space<vmem>>) offsets(%dma_start3A_37 : memref<128xi32, #tpu.memory_space<vmem>>) semaphore(%arg10 : memref<!tpu.dma_semaphore, #tpu.memory_space<semaphore_mem>>)
    %dma_wait3A_41 = arith.constant 128 : i32
    %dma_wait3A_42 = tpu.memref_slice %arg5[%dma_wait3A_41] : memref<1152xi32, #tpu.memory_space<vmem>> -> memref<128xi32, #tpu.memory_space<vmem>>
    %dma_wait3A_43 = arith.constant 0 : i32
    %dma_wait3A_44 = arith.constant 0 : i32
    %dma_wait3A_45 = tpu.memref_slice %arg2[%dma_wait3A_43, %dma_wait3A_44] : memref<1024x64xf32, #tpu.memory_space<hbm>> -> memref<1024x64xf32, #tpu.memory_space<hbm>>
    tpu.wait_indirect_dma semaphore(%arg11 : memref<!tpu.dma_semaphore, #tpu.memory_space<semaphore_mem>>) src(%dma_wait3A_45 : memref<1024x64xf32, #tpu.memory_space<hbm>>) dst(%arg7 : memref<128x64xf32, #tpu.memory_space<vmem>>)
    %add3A_46 = arith.constant 128 : i32
    %add3A_47 = arith.addi %mul3A_2, %add3A_46 : i32
    %dma_start3A_48 = arith.constant 0 : i32
    %dma_start3A_49 = tpu.memref_slice %arg4[%add3A_47, %dma_start3A_48] : memref<36864x64xf32, #tpu.memory_space<hbm>> -> memref<128x64xf32, #tpu.memory_space<hbm>>
    %dma_start3A_50 = arith.constant 0 : i32
    %dma_start3A_51 = tpu.memref_slice %arg4[%add3A_47, %dma_start3A_50] : memref<36864x64xf32, #tpu.memory_space<hbm>> -> memref<128x64xf32, #tpu.memory_space<hbm>>
    tpu.enqueue_dma source(%arg7 : memref<128x64xf32, #tpu.memory_space<vmem>>) target(%dma_start3A_51 : memref<128x64xf32, #tpu.memory_space<hbm>>) target_semaphore(%arg15 : memref<!tpu.dma_semaphore, #tpu.memory_space<semaphore_mem>>)
    %dma_wait3A_52 = arith.constant 0 : i32
    %dma_wait3A_53 = tpu.memref_slice %arg4[%add3A_47, %dma_wait3A_52] : memref<36864x64xf32, #tpu.memory_space<hbm>> -> memref<128x64xf32, #tpu.memory_space<hbm>>
    %dma_wait3A_54 = arith.constant 0 : i32
    %dma_wait3A_55 = tpu.memref_slice %arg4[%add3A_47, %dma_wait3A_54] : memref<36864x64xf32, #tpu.memory_space<hbm>> -> memref<128x64xf32, #tpu.memory_space<hbm>>
    tpu.wait_dma2 semaphore(%arg15 : memref<!tpu.dma_semaphore, #tpu.memory_space<semaphore_mem>>) src(%arg7 : memref<128x64xf32, #tpu.memory_space<vmem>>) dst(%dma_wait3A_55 : memref<128x64xf32, #tpu.memory_space<hbm>>)
    %dma_start3A_56 = arith.constant 640 : i32
    %dma_start3A_57 = tpu.memref_slice %arg5[%dma_start3A_56] : memref<1152xi32, #tpu.memory_space<vmem>> -> memref<128xi32, #tpu.memory_space<vmem>>
    %dma_start3A_58 = arith.constant 0 : i32
    %dma_start3A_59 = arith.constant 0 : i32
    %dma_start3A_60 = tpu.memref_slice %arg2[%dma_start3A_58, %dma_start3A_59] : memref<1024x64xf32, #tpu.memory_space<hbm>> -> memref<1024x64xf32, #tpu.memory_space<hbm>>
    tpu.enqueue_indirect_dma source(%dma_start3A_60 : memref<1024x64xf32, #tpu.memory_space<hbm>>) target(%arg7 : memref<128x64xf32, #tpu.memory_space<vmem>>) offsets(%dma_start3A_57 : memref<128xi32, #tpu.memory_space<vmem>>) semaphore(%arg11 : memref<!tpu.dma_semaphore, #tpu.memory_space<semaphore_mem>>)
    %dma_wait3A_61 = arith.constant 256 : i32
    %dma_wait3A_62 = tpu.memref_slice %arg5[%dma_wait3A_61] : memref<1152xi32, #tpu.memory_space<vmem>> -> memref<128xi32, #tpu.memory_space<vmem>>
    %dma_wait3A_63 = arith.constant 0 : i32
    %dma_wait3A_64 = arith.constant 0 : i32
    %dma_wait3A_65 = tpu.memref_slice %arg2[%dma_wait3A_63, %dma_wait3A_64] : memref<1024x64xf32, #tpu.memory_space<hbm>> -> memref<1024x64xf32, #tpu.memory_space<hbm>>
    tpu.wait_indirect_dma semaphore(%arg12 : memref<!tpu.dma_semaphore, #tpu.memory_space<semaphore_mem>>) src(%dma_wait3A_65 : memref<1024x64xf32, #tpu.memory_space<hbm>>) dst(%arg8 : memref<128x64xf32, #tpu.memory_space<vmem>>)
    %add3A_66 = arith.constant 256 : i32
    %add3A_67 = arith.addi %mul3A_2, %add3A_66 : i32
    %dma_start3A_68 = arith.constant 0 : i32
    %dma_start3A_69 = tpu.memref_slice %arg4[%add3A_67, %dma_start3A_68] : memref<36864x64xf32, #tpu.memory_space<hbm>> -> memref<128x64xf32, #tpu.memory_space<hbm>>
    %dma_start3A_70 = arith.constant 0 : i32
    %dma_start3A_71 = tpu.memref_slice %arg4[%add3A_67, %dma_start3A_70] : memref<36864x64xf32, #tpu.memory_space<hbm>> -> memref<128x64xf32, #tpu.memory_space<hbm>>
    tpu.enqueue_dma source(%arg8 : memref<128x64xf32, #tpu.memory_space<vmem>>) target(%dma_start3A_71 : memref<128x64xf32, #tpu.memory_space<hbm>>) target_semaphore(%arg16 : memref<!tpu.dma_semaphore, #tpu.memory_space<semaphore_mem>>)
    %dma_wait3A_72 = arith.constant 0 : i32
    %dma_wait3A_73 = tpu.memref_slice %arg4[%add3A_67, %dma_wait3A_72] : memref<36864x64xf32, #tpu.memory_space<hbm>> -> memref<128x64xf32, #tpu.memory_space<hbm>>
    %dma_wait3A_74 = arith.constant 0 : i32
    %dma_wait3A_75 = tpu.memref_slice %arg4[%add3A_67, %dma_wait3A_74] : memref<36864x64xf32, #tpu.memory_space<hbm>> -> memref<128x64xf32, #tpu.memory_space<hbm>>
    tpu.wait_dma2 semaphore(%arg16 : memref<!tpu.dma_semaphore, #tpu.memory_space<semaphore_mem>>) src(%arg8 : memref<128x64xf32, #tpu.memory_space<vmem>>) dst(%dma_wait3A_75 : memref<128x64xf32, #tpu.memory_space<hbm>>)
    %dma_start3A_76 = arith.constant 768 : i32
    %dma_start3A_77 = tpu.memref_slice %arg5[%dma_start3A_76] : memref<1152xi32, #tpu.memory_space<vmem>> -> memref<128xi32, #tpu.memory_space<vmem>>
    %dma_start3A_78 = arith.constant 0 : i32
    %dma_start3A_79 = arith.constant 0 : i32
    %dma_start3A_80 = tpu.memref_slice %arg2[%dma_start3A_78, %dma_start3A_79] : memref<1024x64xf32, #tpu.memory_space<hbm>> -> memref<1024x64xf32, #tpu.memory_space<hbm>>
    tpu.enqueue_indirect_dma source(%dma_start3A_80 : memref<1024x64xf32, #tpu.memory_space<hbm>>) target(%arg8 : memref<128x64xf32, #tpu.memory_space<vmem>>) offsets(%dma_start3A_77 : memref<128xi32, #tpu.memory_space<vmem>>) semaphore(%arg12 : memref<!tpu.dma_semaphore, #tpu.memory_space<semaphore_mem>>)
    %dma_wait3A_81 = arith.constant 384 : i32
    %dma_wait3A_82 = tpu.memref_slice %arg5[%dma_wait3A_81] : memref<1152xi32, #tpu.memory_space<vmem>> -> memref<128xi32, #tpu.memory_space<vmem>>
    %dma_wait3A_83 = arith.constant 0 : i32
    %dma_wait3A_84 = arith.constant 0 : i32
    %dma_wait3A_85 = tpu.memref_slice %arg2[%dma_wait3A_83, %dma_wait3A_84] : memref<1024x64xf32, #tpu.memory_space<hbm>> -> memref<1024x64xf32, #tpu.memory_space<hbm>>
    tpu.wait_indirect_dma semaphore(%arg13 : memref<!tpu.dma_semaphore, #tpu.memory_space<semaphore_mem>>) src(%dma_wait3A_85 : memref<1024x64xf32, #tpu.memory_space<hbm>>) dst(%arg9 : memref<128x64xf32, #tpu.memory_space<vmem>>)
    %add3A_86 = arith.constant 384 : i32
    %add3A_87 = arith.addi %mul3A_2, %add3A_86 : i32
    %dma_start3A_88 = arith.constant 0 : i32
    %dma_start3A_89 = tpu.memref_slice %arg4[%add3A_87, %dma_start3A_88] : memref<36864x64xf32, #tpu.memory_space<hbm>> -> memref<128x64xf32, #tpu.memory_space<hbm>>
    %dma_start3A_90 = arith.constant 0 : i32
    %dma_start3A_91 = tpu.memref_slice %arg4[%add3A_87, %dma_start3A_90] : memref<36864x64xf32, #tpu.memory_space<hbm>> -> memref<128x64xf32, #tpu.memory_space<hbm>>
    tpu.enqueue_dma source(%arg9 : memref<128x64xf32, #tpu.memory_space<vmem>>) target(%dma_start3A_91 : memref<128x64xf32, #tpu.memory_space<hbm>>) target_semaphore(%arg17 : memref<!tpu.dma_semaphore, #tpu.memory_space<semaphore_mem>>)
    %dma_wait3A_92 = arith.constant 0 : i32
    %dma_wait3A_93 = tpu.memref_slice %arg4[%add3A_87, %dma_wait3A_92] : memref<36864x64xf32, #tpu.memory_space<hbm>> -> memref<128x64xf32, #tpu.memory_space<hbm>>
    %dma_wait3A_94 = arith.constant 0 : i32
    %dma_wait3A_95 = tpu.memref_slice %arg4[%add3A_87, %dma_wait3A_94] : memref<36864x64xf32, #tpu.memory_space<hbm>> -> memref<128x64xf32, #tpu.memory_space<hbm>>
    tpu.wait_dma2 semaphore(%arg17 : memref<!tpu.dma_semaphore, #tpu.memory_space<semaphore_mem>>) src(%arg9 : memref<128x64xf32, #tpu.memory_space<vmem>>) dst(%dma_wait3A_95 : memref<128x64xf32, #tpu.memory_space<hbm>>)
    %dma_start3A_96 = arith.constant 896 : i32
    %dma_start3A_97 = tpu.memref_slice %arg5[%dma_start3A_96] : memref<1152xi32, #tpu.memory_space<vmem>> -> memref<128xi32, #tpu.memory_space<vmem>>
    %dma_start3A_98 = arith.constant 0 : i32
    %dma_start3A_99 = arith.constant 0 : i32
    %dma_start3A_100 = tpu.memref_slice %arg2[%dma_start3A_98, %dma_start3A_99] : memref<1024x64xf32, #tpu.memory_space<hbm>> -> memref<1024x64xf32, #tpu.memory_space<hbm>>
    tpu.enqueue_indirect_dma source(%dma_start3A_100 : memref<1024x64xf32, #tpu.memory_space<hbm>>) target(%arg9 : memref<128x64xf32, #tpu.memory_space<vmem>>) offsets(%dma_start3A_97 : memref<128xi32, #tpu.memory_space<vmem>>) semaphore(%arg13 : memref<!tpu.dma_semaphore, #tpu.memory_space<semaphore_mem>>)
    %dma_wait3A_101 = arith.constant 512 : i32
    %dma_wait3A_102 = tpu.memref_slice %arg5[%dma_wait3A_101] : memref<1152xi32, #tpu.memory_space<vmem>> -> memref<128xi32, #tpu.memory_space<vmem>>
    %dma_wait3A_103 = arith.constant 0 : i32
    %dma_wait3A_104 = arith.constant 0 : i32
    %dma_wait3A_105 = tpu.memref_slice %arg2[%dma_wait3A_103, %dma_wait3A_104] : memref<1024x64xf32, #tpu.memory_space<hbm>> -> memref<1024x64xf32, #tpu.memory_space<hbm>>
    tpu.wait_indirect_dma semaphore(%arg10 : memref<!tpu.dma_semaphore, #tpu.memory_space<semaphore_mem>>) src(%dma_wait3A_105 : memref<1024x64xf32, #tpu.memory_space<hbm>>) dst(%arg6 : memref<128x64xf32, #tpu.memory_space<vmem>>)
    %add3A_106 = arith.constant 512 : i32
    %add3A_107 = arith.addi %mul3A_2, %add3A_106 : i32
    %dma_start3A_108 = arith.constant 0 : i32
    %dma_start3A_109 = tpu.memref_slice %arg4[%add3A_107, %dma_start3A_108] : memref<36864x64xf32, #tpu.memory_space<hbm>> -> memref<128x64xf32, #tpu.memory_space<hbm>>
    %dma_start3A_110 = arith.constant 0 : i32
    %dma_start3A_111 = tpu.memref_slice %arg4[%add3A_107, %dma_start3A_110] : memref<36864x64xf32, #tpu.memory_space<hbm>> -> memref<128x64xf32, #tpu.memory_space<hbm>>
    tpu.enqueue_dma source(%arg6 : memref<128x64xf32, #tpu.memory_space<vmem>>) target(%dma_start3A_111 : memref<128x64xf32, #tpu.memory_space<hbm>>) target_semaphore(%arg14 : memref<!tpu.dma_semaphore, #tpu.memory_space<semaphore_mem>>)
    %dma_wait3A_112 = arith.constant 0 : i32
    %dma_wait3A_113 = tpu.memref_slice %arg4[%add3A_107, %dma_wait3A_112] : memref<36864x64xf32, #tpu.memory_space<hbm>> -> memref<128x64xf32, #tpu.memory_space<hbm>>
    %dma_wait3A_114 = arith.constant 0 : i32
    %dma_wait3A_115 = tpu.memref_slice %arg4[%add3A_107, %dma_wait3A_114] : memref<36864x64xf32, #tpu.memory_space<hbm>> -> memref<128x64xf32, #tpu.memory_space<hbm>>
    tpu.wait_dma2 semaphore(%arg14 : memref<!tpu.dma_semaphore, #tpu.memory_space<semaphore_mem>>) src(%arg6 : memref<128x64xf32, #tpu.memory_space<vmem>>) dst(%dma_wait3A_115 : memref<128x64xf32, #tpu.memory_space<hbm>>)
    %dma_start3A_116 = arith.constant 1024 : i32
    %dma_start3A_117 = tpu.memref_slice %arg5[%dma_start3A_116] : memref<1152xi32, #tpu.memory_space<vmem>> -> memref<128xi32, #tpu.memory_space<vmem>>
    %dma_start3A_118 = arith.constant 0 : i32
    %dma_start3A_119 = arith.constant 0 : i32
    %dma_start3A_120 = tpu.memref_slice %arg2[%dma_start3A_118, %dma_start3A_119] : memref<1024x64xf32, #tpu.memory_space<hbm>> -> memref<1024x64xf32, #tpu.memory_space<hbm>>
    tpu.enqueue_indirect_dma source(%dma_start3A_120 : memref<1024x64xf32, #tpu.memory_space<hbm>>) target(%arg6 : memref<128x64xf32, #tpu.memory_space<vmem>>) offsets(%dma_start3A_117 : memref<128xi32, #tpu.memory_space<vmem>>) semaphore(%arg10 : memref<!tpu.dma_semaphore, #tpu.memory_space<semaphore_mem>>)
    %dma_wait3A_121 = arith.constant 640 : i32
    %dma_wait3A_122 = tpu.memref_slice %arg5[%dma_wait3A_121] : memref<1152xi32, #tpu.memory_space<vmem>> -> memref<128xi32, #tpu.memory_space<vmem>>
    %dma_wait3A_123 = arith.constant 0 : i32
    %dma_wait3A_124 = arith.constant 0 : i32
    %dma_wait3A_125 = tpu.memref_slice %arg2[%dma_wait3A_123, %dma_wait3A_124] : memref<1024x64xf32, #tpu.memory_space<hbm>> -> memref<1024x64xf32, #tpu.memory_space<hbm>>
    tpu.wait_indirect_dma semaphore(%arg11 : memref<!tpu.dma_semaphore, #tpu.memory_space<semaphore_mem>>) src(%dma_wait3A_125 : memref<1024x64xf32, #tpu.memory_space<hbm>>) dst(%arg7 : memref<128x64xf32, #tpu.memory_space<vmem>>)
    %add3A_126 = arith.constant 640 : i32
    %add3A_127 = arith.addi %mul3A_2, %add3A_126 : i32
    %dma_start3A_128 = arith.constant 0 : i32
    %dma_start3A_129 = tpu.memref_slice %arg4[%add3A_127, %dma_start3A_128] : memref<36864x64xf32, #tpu.memory_space<hbm>> -> memref<128x64xf32, #tpu.memory_space<hbm>>
    %dma_start3A_130 = arith.constant 0 : i32
    %dma_start3A_131 = tpu.memref_slice %arg4[%add3A_127, %dma_start3A_130] : memref<36864x64xf32, #tpu.memory_space<hbm>> -> memref<128x64xf32, #tpu.memory_space<hbm>>
    tpu.enqueue_dma source(%arg7 : memref<128x64xf32, #tpu.memory_space<vmem>>) target(%dma_start3A_131 : memref<128x64xf32, #tpu.memory_space<hbm>>) target_semaphore(%arg15 : memref<!tpu.dma_semaphore, #tpu.memory_space<semaphore_mem>>)
    %dma_wait3A_132 = arith.constant 768 : i32
    %dma_wait3A_133 = tpu.memref_slice %arg5[%dma_wait3A_132] : memref<1152xi32, #tpu.memory_space<vmem>> -> memref<128xi32, #tpu.memory_space<vmem>>
    %dma_wait3A_134 = arith.constant 0 : i32
    %dma_wait3A_135 = arith.constant 0 : i32
    %dma_wait3A_136 = tpu.memref_slice %arg2[%dma_wait3A_134, %dma_wait3A_135] : memref<1024x64xf32, #tpu.memory_space<hbm>> -> memref<1024x64xf32, #tpu.memory_space<hbm>>
    tpu.wait_indirect_dma semaphore(%arg12 : memref<!tpu.dma_semaphore, #tpu.memory_space<semaphore_mem>>) src(%dma_wait3A_136 : memref<1024x64xf32, #tpu.memory_space<hbm>>) dst(%arg8 : memref<128x64xf32, #tpu.memory_space<vmem>>)
    %add3A_137 = arith.constant 768 : i32
    %add3A_138 = arith.addi %mul3A_2, %add3A_137 : i32
    %dma_start3A_139 = arith.constant 0 : i32
    %dma_start3A_140 = tpu.memref_slice %arg4[%add3A_138, %dma_start3A_139] : memref<36864x64xf32, #tpu.memory_space<hbm>> -> memref<128x64xf32, #tpu.memory_space<hbm>>
    %dma_start3A_141 = arith.constant 0 : i32
    %dma_start3A_142 = tpu.memref_slice %arg4[%add3A_138, %dma_start3A_141] : memref<36864x64xf32, #tpu.memory_space<hbm>> -> memref<128x64xf32, #tpu.memory_space<hbm>>
    tpu.enqueue_dma source(%arg8 : memref<128x64xf32, #tpu.memory_space<vmem>>) target(%dma_start3A_142 : memref<128x64xf32, #tpu.memory_space<hbm>>) target_semaphore(%arg16 : memref<!tpu.dma_semaphore, #tpu.memory_space<semaphore_mem>>)
    %dma_wait3A_143 = arith.constant 896 : i32
    %dma_wait3A_144 = tpu.memref_slice %arg5[%dma_wait3A_143] : memref<1152xi32, #tpu.memory_space<vmem>> -> memref<128xi32, #tpu.memory_space<vmem>>
    %dma_wait3A_145 = arith.constant 0 : i32
    %dma_wait3A_146 = arith.constant 0 : i32
    %dma_wait3A_147 = tpu.memref_slice %arg2[%dma_wait3A_145, %dma_wait3A_146] : memref<1024x64xf32, #tpu.memory_space<hbm>> -> memref<1024x64xf32, #tpu.memory_space<hbm>>
    tpu.wait_indirect_dma semaphore(%arg13 : memref<!tpu.dma_semaphore, #tpu.memory_space<semaphore_mem>>) src(%dma_wait3A_147 : memref<1024x64xf32, #tpu.memory_space<hbm>>) dst(%arg9 : memref<128x64xf32, #tpu.memory_space<vmem>>)
    %add3A_148 = arith.constant 896 : i32
    %add3A_149 = arith.addi %mul3A_2, %add3A_148 : i32
    %dma_start3A_150 = arith.constant 0 : i32
    %dma_start3A_151 = tpu.memref_slice %arg4[%add3A_149, %dma_start3A_150] : memref<36864x64xf32, #tpu.memory_space<hbm>> -> memref<128x64xf32, #tpu.memory_space<hbm>>
    %dma_start3A_152 = arith.constant 0 : i32
    %dma_start3A_153 = tpu.memref_slice %arg4[%add3A_149, %dma_start3A_152] : memref<36864x64xf32, #tpu.memory_space<hbm>> -> memref<128x64xf32, #tpu.memory_space<hbm>>
    tpu.enqueue_dma source(%arg9 : memref<128x64xf32, #tpu.memory_space<vmem>>) target(%dma_start3A_153 : memref<128x64xf32, #tpu.memory_space<hbm>>) target_semaphore(%arg17 : memref<!tpu.dma_semaphore, #tpu.memory_space<semaphore_mem>>)
    %dma_wait3A_154 = arith.constant 1024 : i32
    %dma_wait3A_155 = tpu.memref_slice %arg5[%dma_wait3A_154] : memref<1152xi32, #tpu.memory_space<vmem>> -> memref<128xi32, #tpu.memory_space<vmem>>
    %dma_wait3A_156 = arith.constant 0 : i32
    %dma_wait3A_157 = arith.constant 0 : i32
    %dma_wait3A_158 = tpu.memref_slice %arg2[%dma_wait3A_156, %dma_wait3A_157] : memref<1024x64xf32, #tpu.memory_space<hbm>> -> memref<1024x64xf32, #tpu.memory_space<hbm>>
    tpu.wait_indirect_dma semaphore(%arg10 : memref<!tpu.dma_semaphore, #tpu.memory_space<semaphore_mem>>) src(%dma_wait3A_158 : memref<1024x64xf32, #tpu.memory_space<hbm>>) dst(%arg6 : memref<128x64xf32, #tpu.memory_space<vmem>>)
    %add3A_159 = arith.constant 1024 : i32
    %add3A_160 = arith.addi %mul3A_2, %add3A_159 : i32
    %dma_start3A_161 = arith.constant 0 : i32
    %dma_start3A_162 = tpu.memref_slice %arg4[%add3A_160, %dma_start3A_161] : memref<36864x64xf32, #tpu.memory_space<hbm>> -> memref<128x64xf32, #tpu.memory_space<hbm>>
    %dma_start3A_163 = arith.constant 0 : i32
    %dma_start3A_164 = tpu.memref_slice %arg4[%add3A_160, %dma_start3A_163] : memref<36864x64xf32, #tpu.memory_space<hbm>> -> memref<128x64xf32, #tpu.memory_space<hbm>>
    tpu.enqueue_dma source(%arg6 : memref<128x64xf32, #tpu.memory_space<vmem>>) target(%dma_start3A_164 : memref<128x64xf32, #tpu.memory_space<hbm>>) target_semaphore(%arg14 : memref<!tpu.dma_semaphore, #tpu.memory_space<semaphore_mem>>)
    %dma_wait3A_165 = arith.constant 0 : i32
    %dma_wait3A_166 = tpu.memref_slice %arg4[%add3A_160, %dma_wait3A_165] : memref<36864x64xf32, #tpu.memory_space<hbm>> -> memref<128x64xf32, #tpu.memory_space<hbm>>
    %dma_wait3A_167 = arith.constant 0 : i32
    %dma_wait3A_168 = tpu.memref_slice %arg4[%add3A_160, %dma_wait3A_167] : memref<36864x64xf32, #tpu.memory_space<hbm>> -> memref<128x64xf32, #tpu.memory_space<hbm>>
    tpu.wait_dma2 semaphore(%arg14 : memref<!tpu.dma_semaphore, #tpu.memory_space<semaphore_mem>>) src(%arg6 : memref<128x64xf32, #tpu.memory_space<vmem>>) dst(%dma_wait3A_168 : memref<128x64xf32, #tpu.memory_space<hbm>>)
    %dma_wait3A_169 = arith.constant 0 : i32
    %dma_wait3A_170 = tpu.memref_slice %arg4[%add3A_127, %dma_wait3A_169] : memref<36864x64xf32, #tpu.memory_space<hbm>> -> memref<128x64xf32, #tpu.memory_space<hbm>>
    %dma_wait3A_171 = arith.constant 0 : i32
    %dma_wait3A_172 = tpu.memref_slice %arg4[%add3A_127, %dma_wait3A_171] : memref<36864x64xf32, #tpu.memory_space<hbm>> -> memref<128x64xf32, #tpu.memory_space<hbm>>
    tpu.wait_dma2 semaphore(%arg15 : memref<!tpu.dma_semaphore, #tpu.memory_space<semaphore_mem>>) src(%arg7 : memref<128x64xf32, #tpu.memory_space<vmem>>) dst(%dma_wait3A_172 : memref<128x64xf32, #tpu.memory_space<hbm>>)
    %dma_wait3A_173 = arith.constant 0 : i32
    %dma_wait3A_174 = tpu.memref_slice %arg4[%add3A_138, %dma_wait3A_173] : memref<36864x64xf32, #tpu.memory_space<hbm>> -> memref<128x64xf32, #tpu.memory_space<hbm>>
    %dma_wait3A_175 = arith.constant 0 : i32
    %dma_wait3A_176 = tpu.memref_slice %arg4[%add3A_138, %dma_wait3A_175] : memref<36864x64xf32, #tpu.memory_space<hbm>> -> memref<128x64xf32, #tpu.memory_space<hbm>>
    tpu.wait_dma2 semaphore(%arg16 : memref<!tpu.dma_semaphore, #tpu.memory_space<semaphore_mem>>) src(%arg8 : memref<128x64xf32, #tpu.memory_space<vmem>>) dst(%dma_wait3A_176 : memref<128x64xf32, #tpu.memory_space<hbm>>)
    %dma_wait3A_177 = arith.constant 0 : i32
    %dma_wait3A_178 = tpu.memref_slice %arg4[%add3A_149, %dma_wait3A_177] : memref<36864x64xf32, #tpu.memory_space<hbm>> -> memref<128x64xf32, #tpu.memory_space<hbm>>
    %dma_wait3A_179 = arith.constant 0 : i32
    %dma_wait3A_180 = tpu.memref_slice %arg4[%add3A_149, %dma_wait3A_179] : memref<36864x64xf32, #tpu.memory_space<hbm>> -> memref<128x64xf32, #tpu.memory_space<hbm>>
    tpu.wait_dma2 semaphore(%arg17 : memref<!tpu.dma_semaphore, #tpu.memory_space<semaphore_mem>>) src(%arg9 : memref<128x64xf32, #tpu.memory_space<vmem>>) dst(%dma_wait3A_180 : memref<128x64xf32, #tpu.memory_space<hbm>>)
    return
  }
}

module attributes {stable_mosaic.version = 14 : i64} {
  func.func @_argmin_body(%arg0: i32, %arg1: memref<1x64x576xf32, #tpu.memory_space<vmem>>, %arg2: memref<1x1x576xf32, #tpu.memory_space<vmem>>, %arg3: memref<1024x64xf32, #tpu.memory_space<vmem>>, %arg4: memref<1024x1xf32, #tpu.memory_space<vmem>>, %arg5: memref<128x8xf32, #tpu.memory_space<vmem>>, %arg6: memref<1x1x576xi32, #tpu.memory_space<vmem>>, %arg7: memref<1x1xf32, #tpu.memory_space<vmem>>, %arg8: memref<1x1xf32, #tpu.memory_space<smem>>) attributes {dimension_semantics = [#tpu.dimension_semantics<arbitrary>], iteration_bounds = array<i64: 64>, scalar_prefetch = 0 : i64, scratch_operands = 1 : i64, tpu.core_type = #tpu.core_type<tc>, window_params = [{transform_indices = @transform_0, window_bounds = array<i64: 1, 64, 576>}, {transform_indices = @transform_1, window_bounds = array<i64: 1, 1, 576>}, {pipeline_mode = #tpu.pipeline_mode<synchronous>, transform_indices = @transform_2, window_bounds = array<i64: 1024, 64>}, {pipeline_mode = #tpu.pipeline_mode<synchronous>, transform_indices = @transform_3, window_bounds = array<i64: 1024, 1>}, {pipeline_mode = #tpu.pipeline_mode<synchronous>, transform_indices = @transform_4, window_bounds = array<i64: 128, 8>}, {transform_indices = @transform_5, window_bounds = array<i64: 1, 1, 576>}, {pipeline_mode = #tpu.pipeline_mode<synchronous>, transform_indices = @transform_6, window_bounds = array<i64: 1, 1>}]} {
    %get3A = arith.constant 0 : index
    %get3A_0 = arith.constant 0 : index
    %get3A_1 = arith.constant 0 : index
    %get3A_2 = vector.load %arg1[%get3A, %get3A_0, %get3A_1] : memref<1x64x576xf32, #tpu.memory_space<vmem>>, vector<1x64x576xf32>
    %get3A_3 = vector.shape_cast %get3A_2 : vector<1x64x576xf32> to vector<64x576xf32>
    %mul3A = arith.constant 2.000000e+00 : f32
    %mul3A_4 = vector.broadcast %mul3A : f32 to vector<64x576xf32>
    %mul3A_5 = arith.mulf %get3A_3, %mul3A_4 : vector<64x576xf32>
    %get3A_6 = arith.constant 0 : index
    %get3A_7 = arith.constant 0 : index
    %get3A_8 = arith.constant 0 : index
    %get3A_9 = vector.load %arg2[%get3A_6, %get3A_7, %get3A_8] : memref<1x1x576xf32, #tpu.memory_space<vmem>>, vector<1x1x576xf32>
    %get3A_10 = vector.shape_cast %get3A_9 : vector<1x1x576xf32> to vector<1x576xf32>
    %broadcast_in_dim3A = arith.constant 0x7F800000 : f32
    %broadcast_in_dim3A_11 = vector.broadcast %broadcast_in_dim3A : f32 to vector<8x576xf32>
    %broadcast_in_dim3A_12 = arith.constant 0.000000e+00 : f32
    %broadcast_in_dim3A_13 = vector.broadcast %broadcast_in_dim3A_12 : f32 to vector<8x576xf32>
    %get3A_14 = arith.constant 0 : index
    %get3A_15 = arith.constant 0 : index
    %get3A_16 = vector.load %arg3[%get3A_14, %get3A_15] : memref<1024x64xf32, #tpu.memory_space<vmem>>, vector<256x64xf32>
    %get3A_17 = arith.constant 0 : index
    %get3A_18 = arith.constant 0 : index
    %get3A_19 = vector.load %arg4[%get3A_17, %get3A_18] : memref<1024x1xf32, #tpu.memory_space<vmem>>, vector<256x1xf32>
    %dot_general3A = arith.constant dense<0.000000e+00> : vector<256x576xf32>
    %dot_general3A_20 = tpu.matmul %get3A_16, %mul3A_5, %dot_general3A {dimension_numbers = #tpu.dot_dimension_numbers<[1], [0], [0], [1], [0, 0, 1, 1], [], []>, transpose_lhs_hint = false} : vector<256x64xf32>, vector<64x576xf32>, vector<256x576xf32> -> vector<256x576xf32>
    %add3A = vector.broadcast %get3A_10 : vector<1x576xf32> to vector<256x576xf32>
    %add3A_21 = vector.broadcast %get3A_19 : vector<256x1xf32> to vector<256x576xf32>
    %add3A_22 = arith.addf %add3A, %add3A_21 : vector<256x576xf32>
    %sub3A = arith.subf %add3A_22, %dot_general3A_20 : vector<256x576xf32>
    %reshape3A = vector.shape_cast %sub3A : vector<256x576xf32> to vector<32x8x576xf32>
    %reduce_min3A = arith.constant dense<0x7F800000> : vector<8x576xf32>
    %reduce_min3A_23 = vector.multi_reduction <minimumf>, %reshape3A, %reduce_min3A [0] : vector<32x8x576xf32> to vector<8x576xf32>
    %get3A_24 = arith.constant 0 : index
    %get3A_25 = arith.constant 0 : index
    %get3A_26 = vector.load %arg5[%get3A_24, %get3A_25] : memref<128x8xf32, #tpu.memory_space<vmem>>, vector<32x8xf32>
    %broadcast_in_dim3A_27 = vector.shape_cast %get3A_26 : vector<32x8xf32> to vector<32x8x1xf32>
    %broadcast_in_dim3A_28 = vector.shape_cast %reduce_min3A_23 : vector<8x576xf32> to vector<1x8x576xf32>
    %eq3A = vector.broadcast %broadcast_in_dim3A_28 : vector<1x8x576xf32> to vector<32x8x576xf32>
    %eq3A_29 = arith.cmpf oeq, %reshape3A, %eq3A : vector<32x8x576xf32>
    %jit3A = arith.constant 2.048000e+03 : f32
    %broadcast_in_dim3A_30 = vector.shape_cast %broadcast_in_dim3A_27 : vector<32x8x1xf32> to vector<32x8x1xf32>
    %broadcast_in_dim3A_31 = vector.broadcast %broadcast_in_dim3A_30 : vector<32x8x1xf32> to vector<32x8x576xf32>
    %broadcast_in_dim3A_32 = vector.broadcast %jit3A : f32 to vector<32x8x576xf32>
    %select_n3A = arith.select %eq3A_29, %broadcast_in_dim3A_31, %broadcast_in_dim3A_32 : vector<32x8x576xi1>, vector<32x8x576xf32>
    %reduce_min3A_33 = arith.constant dense<0x7F800000> : vector<8x576xf32>
    %reduce_min3A_34 = vector.multi_reduction <minimumf>, %select_n3A, %reduce_min3A_33 [0] : vector<32x8x576xf32> to vector<8x576xf32>
    %lt3A = arith.cmpf olt, %reduce_min3A_23, %broadcast_in_dim3A_11 : vector<8x576xf32>
    %select_n3A_35 = arith.select %lt3A, %reduce_min3A_34, %broadcast_in_dim3A_13 : vector<8x576xi1>, vector<8x576xf32>
    %select_n3A_36 = arith.select %lt3A, %reduce_min3A_23, %broadcast_in_dim3A_11 : vector<8x576xi1>, vector<8x576xf32>
    %get3A_37 = arith.constant 256 : index
    %get3A_38 = arith.constant 0 : index
    %get3A_39 = vector.load %arg3[%get3A_37, %get3A_38] : memref<1024x64xf32, #tpu.memory_space<vmem>>, vector<256x64xf32>
    %get3A_40 = arith.constant 256 : index
    %get3A_41 = arith.constant 0 : index
    %get3A_42 = vector.load %arg4[%get3A_40, %get3A_41] : memref<1024x1xf32, #tpu.memory_space<vmem>>, vector<256x1xf32>
    %dot_general3A_43 = arith.constant dense<0.000000e+00> : vector<256x576xf32>
    %dot_general3A_44 = tpu.matmul %get3A_39, %mul3A_5, %dot_general3A_43 {dimension_numbers = #tpu.dot_dimension_numbers<[1], [0], [0], [1], [0, 0, 1, 1], [], []>, transpose_lhs_hint = false} : vector<256x64xf32>, vector<64x576xf32>, vector<256x576xf32> -> vector<256x576xf32>
    %add3A_45 = vector.broadcast %get3A_10 : vector<1x576xf32> to vector<256x576xf32>
    %add3A_46 = vector.broadcast %get3A_42 : vector<256x1xf32> to vector<256x576xf32>
    %add3A_47 = arith.addf %add3A_45, %add3A_46 : vector<256x576xf32>
    %sub3A_48 = arith.subf %add3A_47, %dot_general3A_44 : vector<256x576xf32>
    %reshape3A_49 = vector.shape_cast %sub3A_48 : vector<256x576xf32> to vector<32x8x576xf32>
    %reduce_min3A_50 = arith.constant dense<0x7F800000> : vector<8x576xf32>
    %reduce_min3A_51 = vector.multi_reduction <minimumf>, %reshape3A_49, %reduce_min3A_50 [0] : vector<32x8x576xf32> to vector<8x576xf32>
    %get3A_52 = arith.constant 32 : index
    %get3A_53 = arith.constant 0 : index
    %get3A_54 = vector.load %arg5[%get3A_52, %get3A_53] : memref<128x8xf32, #tpu.memory_space<vmem>>, vector<32x8xf32>
    %broadcast_in_dim3A_55 = vector.shape_cast %get3A_54 : vector<32x8xf32> to vector<32x8x1xf32>
    %broadcast_in_dim3A_56 = vector.shape_cast %reduce_min3A_51 : vector<8x576xf32> to vector<1x8x576xf32>
    %eq3A_57 = vector.broadcast %broadcast_in_dim3A_56 : vector<1x8x576xf32> to vector<32x8x576xf32>
    %eq3A_58 = arith.cmpf oeq, %reshape3A_49, %eq3A_57 : vector<32x8x576xf32>
    %jit3A_59 = arith.constant 2.048000e+03 : f32
    %broadcast_in_dim3A_60 = vector.shape_cast %broadcast_in_dim3A_55 : vector<32x8x1xf32> to vector<32x8x1xf32>
    %broadcast_in_dim3A_61 = vector.broadcast %broadcast_in_dim3A_60 : vector<32x8x1xf32> to vector<32x8x576xf32>
    %broadcast_in_dim3A_62 = vector.broadcast %jit3A_59 : f32 to vector<32x8x576xf32>
    %select_n3A_63 = arith.select %eq3A_58, %broadcast_in_dim3A_61, %broadcast_in_dim3A_62 : vector<32x8x576xi1>, vector<32x8x576xf32>
    %reduce_min3A_64 = arith.constant dense<0x7F800000> : vector<8x576xf32>
    %reduce_min3A_65 = vector.multi_reduction <minimumf>, %select_n3A_63, %reduce_min3A_64 [0] : vector<32x8x576xf32> to vector<8x576xf32>
    %lt3A_66 = arith.cmpf olt, %reduce_min3A_51, %select_n3A_36 : vector<8x576xf32>
    %select_n3A_67 = arith.select %lt3A_66, %reduce_min3A_65, %select_n3A_35 : vector<8x576xi1>, vector<8x576xf32>
    %select_n3A_68 = arith.select %lt3A_66, %reduce_min3A_51, %select_n3A_36 : vector<8x576xi1>, vector<8x576xf32>
    %get3A_69 = arith.constant 512 : index
    %get3A_70 = arith.constant 0 : index
    %get3A_71 = vector.load %arg3[%get3A_69, %get3A_70] : memref<1024x64xf32, #tpu.memory_space<vmem>>, vector<256x64xf32>
    %get3A_72 = arith.constant 512 : index
    %get3A_73 = arith.constant 0 : index
    %get3A_74 = vector.load %arg4[%get3A_72, %get3A_73] : memref<1024x1xf32, #tpu.memory_space<vmem>>, vector<256x1xf32>
    %dot_general3A_75 = arith.constant dense<0.000000e+00> : vector<256x576xf32>
    %dot_general3A_76 = tpu.matmul %get3A_71, %mul3A_5, %dot_general3A_75 {dimension_numbers = #tpu.dot_dimension_numbers<[1], [0], [0], [1], [0, 0, 1, 1], [], []>, transpose_lhs_hint = false} : vector<256x64xf32>, vector<64x576xf32>, vector<256x576xf32> -> vector<256x576xf32>
    %add3A_77 = vector.broadcast %get3A_10 : vector<1x576xf32> to vector<256x576xf32>
    %add3A_78 = vector.broadcast %get3A_74 : vector<256x1xf32> to vector<256x576xf32>
    %add3A_79 = arith.addf %add3A_77, %add3A_78 : vector<256x576xf32>
    %sub3A_80 = arith.subf %add3A_79, %dot_general3A_76 : vector<256x576xf32>
    %reshape3A_81 = vector.shape_cast %sub3A_80 : vector<256x576xf32> to vector<32x8x576xf32>
    %reduce_min3A_82 = arith.constant dense<0x7F800000> : vector<8x576xf32>
    %reduce_min3A_83 = vector.multi_reduction <minimumf>, %reshape3A_81, %reduce_min3A_82 [0] : vector<32x8x576xf32> to vector<8x576xf32>
    %get3A_84 = arith.constant 64 : index
    %get3A_85 = arith.constant 0 : index
    %get3A_86 = vector.load %arg5[%get3A_84, %get3A_85] : memref<128x8xf32, #tpu.memory_space<vmem>>, vector<32x8xf32>
    %broadcast_in_dim3A_87 = vector.shape_cast %get3A_86 : vector<32x8xf32> to vector<32x8x1xf32>
    %broadcast_in_dim3A_88 = vector.shape_cast %reduce_min3A_83 : vector<8x576xf32> to vector<1x8x576xf32>
    %eq3A_89 = vector.broadcast %broadcast_in_dim3A_88 : vector<1x8x576xf32> to vector<32x8x576xf32>
    %eq3A_90 = arith.cmpf oeq, %reshape3A_81, %eq3A_89 : vector<32x8x576xf32>
    %jit3A_91 = arith.constant 2.048000e+03 : f32
    %broadcast_in_dim3A_92 = vector.shape_cast %broadcast_in_dim3A_87 : vector<32x8x1xf32> to vector<32x8x1xf32>
    %broadcast_in_dim3A_93 = vector.broadcast %broadcast_in_dim3A_92 : vector<32x8x1xf32> to vector<32x8x576xf32>
    %broadcast_in_dim3A_94 = vector.broadcast %jit3A_91 : f32 to vector<32x8x576xf32>
    %select_n3A_95 = arith.select %eq3A_90, %broadcast_in_dim3A_93, %broadcast_in_dim3A_94 : vector<32x8x576xi1>, vector<32x8x576xf32>
    %reduce_min3A_96 = arith.constant dense<0x7F800000> : vector<8x576xf32>
    %reduce_min3A_97 = vector.multi_reduction <minimumf>, %select_n3A_95, %reduce_min3A_96 [0] : vector<32x8x576xf32> to vector<8x576xf32>
    %lt3A_98 = arith.cmpf olt, %reduce_min3A_83, %select_n3A_68 : vector<8x576xf32>
    %select_n3A_99 = arith.select %lt3A_98, %reduce_min3A_97, %select_n3A_67 : vector<8x576xi1>, vector<8x576xf32>
    %select_n3A_100 = arith.select %lt3A_98, %reduce_min3A_83, %select_n3A_68 : vector<8x576xi1>, vector<8x576xf32>
    %get3A_101 = arith.constant 768 : index
    %get3A_102 = arith.constant 0 : index
    %get3A_103 = vector.load %arg3[%get3A_101, %get3A_102] : memref<1024x64xf32, #tpu.memory_space<vmem>>, vector<256x64xf32>
    %get3A_104 = arith.constant 768 : index
    %get3A_105 = arith.constant 0 : index
    %get3A_106 = vector.load %arg4[%get3A_104, %get3A_105] : memref<1024x1xf32, #tpu.memory_space<vmem>>, vector<256x1xf32>
    %dot_general3A_107 = arith.constant dense<0.000000e+00> : vector<256x576xf32>
    %dot_general3A_108 = tpu.matmul %get3A_103, %mul3A_5, %dot_general3A_107 {dimension_numbers = #tpu.dot_dimension_numbers<[1], [0], [0], [1], [0, 0, 1, 1], [], []>, transpose_lhs_hint = false} : vector<256x64xf32>, vector<64x576xf32>, vector<256x576xf32> -> vector<256x576xf32>
    %add3A_109 = vector.broadcast %get3A_10 : vector<1x576xf32> to vector<256x576xf32>
    %add3A_110 = vector.broadcast %get3A_106 : vector<256x1xf32> to vector<256x576xf32>
    %add3A_111 = arith.addf %add3A_109, %add3A_110 : vector<256x576xf32>
    %sub3A_112 = arith.subf %add3A_111, %dot_general3A_108 : vector<256x576xf32>
    %reshape3A_113 = vector.shape_cast %sub3A_112 : vector<256x576xf32> to vector<32x8x576xf32>
    %reduce_min3A_114 = arith.constant dense<0x7F800000> : vector<8x576xf32>
    %reduce_min3A_115 = vector.multi_reduction <minimumf>, %reshape3A_113, %reduce_min3A_114 [0] : vector<32x8x576xf32> to vector<8x576xf32>
    %get3A_116 = arith.constant 96 : index
    %get3A_117 = arith.constant 0 : index
    %get3A_118 = vector.load %arg5[%get3A_116, %get3A_117] : memref<128x8xf32, #tpu.memory_space<vmem>>, vector<32x8xf32>
    %broadcast_in_dim3A_119 = vector.shape_cast %get3A_118 : vector<32x8xf32> to vector<32x8x1xf32>
    %broadcast_in_dim3A_120 = vector.shape_cast %reduce_min3A_115 : vector<8x576xf32> to vector<1x8x576xf32>
    %eq3A_121 = vector.broadcast %broadcast_in_dim3A_120 : vector<1x8x576xf32> to vector<32x8x576xf32>
    %eq3A_122 = arith.cmpf oeq, %reshape3A_113, %eq3A_121 : vector<32x8x576xf32>
    %jit3A_123 = arith.constant 2.048000e+03 : f32
    %broadcast_in_dim3A_124 = vector.shape_cast %broadcast_in_dim3A_119 : vector<32x8x1xf32> to vector<32x8x1xf32>
    %broadcast_in_dim3A_125 = vector.broadcast %broadcast_in_dim3A_124 : vector<32x8x1xf32> to vector<32x8x576xf32>
    %broadcast_in_dim3A_126 = vector.broadcast %jit3A_123 : f32 to vector<32x8x576xf32>
    %select_n3A_127 = arith.select %eq3A_122, %broadcast_in_dim3A_125, %broadcast_in_dim3A_126 : vector<32x8x576xi1>, vector<32x8x576xf32>
    %reduce_min3A_128 = arith.constant dense<0x7F800000> : vector<8x576xf32>
    %reduce_min3A_129 = vector.multi_reduction <minimumf>, %select_n3A_127, %reduce_min3A_128 [0] : vector<32x8x576xf32> to vector<8x576xf32>
    %lt3A_130 = arith.cmpf olt, %reduce_min3A_115, %select_n3A_100 : vector<8x576xf32>
    %select_n3A_131 = arith.select %lt3A_130, %reduce_min3A_129, %select_n3A_99 : vector<8x576xi1>, vector<8x576xf32>
    %select_n3A_132 = arith.select %lt3A_130, %reduce_min3A_115, %select_n3A_100 : vector<8x576xi1>, vector<8x576xf32>
    %reduce_min3A_133 = arith.constant dense<0x7F800000> : vector<576xf32>
    %reduce_min3A_134 = vector.multi_reduction <minimumf>, %select_n3A_132, %reduce_min3A_133 [0] : vector<8x576xf32> to vector<576xf32>
    %broadcast_in_dim3A_135 = vector.shape_cast %reduce_min3A_134 : vector<576xf32> to vector<1x576xf32>
    %eq3A_136 = vector.broadcast %broadcast_in_dim3A_135 : vector<1x576xf32> to vector<8x576xf32>
    %eq3A_137 = arith.cmpf oeq, %select_n3A_132, %eq3A_136 : vector<8x576xf32>
    %jit3A_138 = arith.constant 2.048000e+03 : f32
    %broadcast_in_dim3A_139 = vector.broadcast %jit3A_138 : f32 to vector<8x576xf32>
    %select_n3A_140 = arith.select %eq3A_137, %select_n3A_131, %broadcast_in_dim3A_139 : vector<8x576xi1>, vector<8x576xf32>
    %reduce_min3A_141 = arith.constant dense<0x7F800000> : vector<576xf32>
    %reduce_min3A_142 = vector.multi_reduction <minimumf>, %select_n3A_140, %reduce_min3A_141 [0] : vector<8x576xf32> to vector<576xf32>
    %convert_element_type3A = arith.fptosi %reduce_min3A_142 : vector<576xf32> to vector<576xi32>
    %broadcast_in_dim3A_143 = vector.shape_cast %convert_element_type3A : vector<576xi32> to vector<1x1x576xi32>
    %swap3A = arith.constant 0 : index
    %swap3A_144 = arith.constant 0 : index
    %swap3A_145 = arith.constant 0 : index
    %swap3A_146 = vector.load %arg6[%swap3A, %swap3A_144, %swap3A_145] : memref<1x1x576xi32, #tpu.memory_space<vmem>>, vector<1x1x576xi32>
    tpu.vector_store %arg6[%swap3A, %swap3A_144, %swap3A_145], %broadcast_in_dim3A_143 {strides = array<i32>} : memref<1x1x576xi32, #tpu.memory_space<vmem>>, vector<1x1x576xi32>,
    %eq3A_147 = arith.constant 0 : i32
    %eq3A_148 = arith.cmpi eq, %arg0, %eq3A_147 : i32
    %convert_element_type3A_149 = arith.extui %eq3A_148 : i1 to i32
    %cond3A = arith.constant 0 : i32
    %cond3A_150 = arith.cmpi ne, %convert_element_type3A_149, %cond3A : i32
    scf.if %cond3A_150 {
      %swap3A_171 = arith.constant 0.000000e+00 : f32
      %swap3A_172 = arith.constant 0 : index
      %swap3A_173 = arith.constant 0 : index
      %swap3A_174 = memref.load %arg8[%swap3A_172, %swap3A_173] : memref<1x1xf32, #tpu.memory_space<smem>>
      memref.store %swap3A_171, %arg8[%swap3A_172, %swap3A_173] : memref<1x1xf32, #tpu.memory_space<smem>>
    } else {
    }
    %get3A_151 = arith.constant 0 : index
    %get3A_152 = arith.constant 0 : index
    %get3A_153 = memref.load %arg8[%get3A_151, %get3A_152] : memref<1x1xf32, #tpu.memory_space<smem>>
    %reduce_sum3A = vector.shape_cast %reduce_min3A_134 : vector<576xf32> to vector<1x576xf32>
    %reduce_sum3A_154 = arith.constant dense<0.000000e+00> : vector<1xf32>
    %reduce_sum3A_155 = vector.multi_reduction <add>, %reduce_sum3A, %reduce_sum3A_154 [1] : vector<1x576xf32> to vector<1xf32>
    %reduce_sum3A_156 = vector.shape_cast %reduce_sum3A_155 : vector<1xf32> to vector<1x1xf32>
    %reduce_sum3A_157 = vector.extract %reduce_sum3A_156[0, 0] : f32 from vector<1x1xf32>
    %add3A_158 = arith.addf %get3A_153, %reduce_sum3A_157 : f32
    %swap3A_159 = arith.constant 0 : index
    %swap3A_160 = arith.constant 0 : index
    %swap3A_161 = memref.load %arg8[%swap3A_159, %swap3A_160] : memref<1x1xf32, #tpu.memory_space<smem>>
    memref.store %add3A_158, %arg8[%swap3A_159, %swap3A_160] : memref<1x1xf32, #tpu.memory_space<smem>>
    %get3A_162 = arith.constant 0 : index
    %get3A_163 = arith.constant 0 : index
    %get3A_164 = memref.load %arg8[%get3A_162, %get3A_163] : memref<1x1xf32, #tpu.memory_space<smem>>
    %mul3A_165 = arith.constant 5.2981909E-7 : f32
    %mul3A_166 = arith.mulf %get3A_164, %mul3A_165 : f32
    %broadcast_in_dim3A_167 = vector.broadcast %mul3A_166 : f32 to vector<1x1xf32>
    %swap3A_168 = arith.constant 0 : index
    %swap3A_169 = arith.constant 0 : index
    %swap3A_170 = vector.load %arg7[%swap3A_168, %swap3A_169] : memref<1x1xf32, #tpu.memory_space<vmem>>, vector<1x1xf32>
    tpu.vector_store %arg7[%swap3A_168, %swap3A_169], %broadcast_in_dim3A_167 {strides = array<i32>} : memref<1x1xf32, #tpu.memory_space<vmem>>, vector<1x1xf32>,
    return
  }
  func.func @transform_0(%arg0: i32) -> (i32, i32, i32) {
    %c0_i32 = arith.constant 0 : i32
    %c0_i32_0 = arith.constant 0 : i32
    %c0_i32_1 = arith.constant 0 : i32
    return %arg0, %c0_i32, %c0_i32_0 : i32, i32, i32
  }
  func.func @transform_1(%arg0: i32) -> (i32, i32, i32) {
    %c0_i32 = arith.constant 0 : i32
    %c0_i32_0 = arith.constant 0 : i32
    %c0_i32_1 = arith.constant 0 : i32
    return %arg0, %c0_i32, %c0_i32_0 : i32, i32, i32
  }
  func.func @transform_2(%arg0: i32) -> (i32, i32) {
    %c0_i32 = arith.constant 0 : i32
    %c0_i32_0 = arith.constant 0 : i32
    %c0_i32_1 = arith.constant 0 : i32
    return %c0_i32, %c0_i32_0 : i32, i32
  }
  func.func @transform_3(%arg0: i32) -> (i32, i32) {
    %c0_i32 = arith.constant 0 : i32
    %c0_i32_0 = arith.constant 0 : i32
    %c0_i32_1 = arith.constant 0 : i32
    return %c0_i32, %c0_i32_0 : i32, i32
  }
  func.func @transform_4(%arg0: i32) -> (i32, i32) {
    %c0_i32 = arith.constant 0 : i32
    %c0_i32_0 = arith.constant 0 : i32
    %c0_i32_1 = arith.constant 0 : i32
    return %c0_i32, %c0_i32_0 : i32, i32
  }
  func.func @transform_5(%arg0: i32) -> (i32, i32, i32) {
    %c0_i32 = arith.constant 0 : i32
    %c0_i32_0 = arith.constant 0 : i32
    %c0_i32_1 = arith.constant 0 : i32
    return %arg0, %c0_i32, %c0_i32_0 : i32, i32, i32
  }
  func.func @transform_6(%arg0: i32) -> (i32, i32) {
    %c0_i32 = arith.constant 0 : i32
    %c0_i32_0 = arith.constant 0 : i32
    %c0_i32_1 = arith.constant 0 : i32
    return %c0_i32, %c0_i32_0 : i32, i32
  }
}

</mosaic_0001>

<sc_bundles>
// kernel: kernel.4.cloned.1.call-start
scs
__scs_entry_jumppad:
0x0: {  	(pc) =	sbr.rel $0x88, $3  }
0x1: {  	(tag) =	ssettag $0x0;
	lr =	simm.s32 $0x1  }
0x2: {  	[smem:$0x3F9F] =	sst lr;
	_ =	strace $0xD0000000  }
0x3: {  	_ = 	snop  }
0x4: {  	_ = 	snop  }
0x5: {  	_ = 	snop  }
0x6: {  	_ = 	snop  }
0x7: {  	_ = 	snop  }
__scs_overlays_trampoline_lowered:
0x8: {  	[smem:$0x3FAE] =	sst s0  }
0x9: {  	[smem:$0x3FAF] =	sst s1  }
0xa: {  	[smem:$0x3FB0] =	sst s2  }
0xb: {  	[smem:$0x3FB1] =	sst s3  }
0xc: {  	[smem:$0x3FB2] =	sst s4  }
0xd: {  	[smem:$0x3FB3] =	sst s5  }
0xe: {  	[smem:$0x3FB4] =	sst s6  }
0xf: {  	[smem:$0x3FB5] =	sst s7  }
0x10: {  	[smem:$0x3FB6] =	sst s8  }
0x11: {  	[smem:$0x3FB7] =	sst s9;
	s0 =	simm.s32 @!p0 $0x0  }
0x12: {  	s1 =	sld [smem:$0x3F9D];
	s0 =	simm.s32 @p0 $0x1  }
0x13: {  	[smem:$0x3FB8] =	sst s0;
	s0 =	simm.s32 @!p1 $0x0  }
0x14: {  	s2 =	sld [smem:$0x3F9C];
	s0 =	simm.s32 @p1 $0x1  }
0x15: {  	[smem:$0x3FB9] =	sst s0;
	s0 =	simm.s32 @!p2 $0x0  }
0x16: {  	s3 =	sld [smem:$0x3FDB];
	s0 =	simm.s32 @p2 $0x1  }
0x17: {  	s4 =	simm.s32 $0x1BF5;
	[smem:$0x3FBB] =	sst s0  }
0x18: {  	s0 =	sld [smem:$0x3F9E];
	_ =	swait.ge [sflag:s4], $0x0  }
0x19: {  	s7 =	sld [smem:$0x3F9F]  }
0x1a: {  	s8 =	sadd.s32 $0xFFFFE003, lr  }
0x1b: {  	s9 =	sadd.s32 $0xFFFFFEF7, lr;
	s5 =	simm.s32 $0xFFFFFFFF;
	p2 =	slt.u32 s8, $0xFFFFF086  }
0x1c: {  	p1 =	slt.u32 s9, $0xF7A;
	s5 =	simm.s32 @!p2 $0x0  }
0x1d: {  	s5 =	simm.s32 @p1 $0x1;
	p0 =	seq.s32 s7, s2  }
0x1e: {  	s7 =	smul.u32 @!p0 $0xF7A, s2;
	p2 =	seq.s32 @!p0 s5, $0x0  }
0x1f: {  	s9 =	smul.u32 $0xF7A, s1;
	s8 =	simm.s32 @!p0 $0x1BF5;
	p2 =	por !p2, p0  }
0x20: {  	[sflag:s8] =	ssyncset.s32 @!p0 $0xFFFFF086;
	s6 =	sadd.s32 @!p0 s3, s7;
	s7 =	simm.s32 @!p0 $0x108  }
0x21: {  	s3 =	sadd.s32 s3, s9;
	s6 =	sadd.s32 @!p0 $0x88, s6;
	s7 =	simm.s32 @p2 $0x1082  }
0x22: {  	[simem:s7], [sflag:s8] =	dma.local @!p0 [hbm:s6], $0xF7A  }
0x23: {  	s9 =	sor.u32 $0xD0000000, s2;
	s6 =	simm.s32 $0x108;
	_ =	swait.ge @!p0 [sflag:s8], $0x0  }
0x24: {  	s3 =	sadd.s32 $0x88, s3;
	s6 =	simm.s32 @!p1 $0x1082;
	[sflag:s4] =	ssyncset.s32 $0xFFFFF086  }
0x25: {  	[simem:s6], [sflag:s4] =	dma.local [hbm:s3], $0xF7A  }
0x26: {  	[smem:$0x3F9F] =	sst s1;
	(tag) =	ssettag s2;
	_ =	strace s9  }
0x27: {  	s1 =	sld [smem:$0x3FAF]  }
0x28: {  	s2 =	sld [smem:$0x3FB0]  }
0x29: {  	s4 =	sld [smem:$0x3FB2]  }
0x2a: {  	p0 =	seq.s32 s5, $0x0;
	s5 =	sld [smem:$0x3FB3]  }
0x2b: {  	s6 =	sld [smem:$0x3FB4]  }
0x2c: {  	s7 =	sld [smem:$0x3FB5]  }
0x2d: {  	s3 =	simm.s32 $0x108;
	s8 =	sld [smem:$0x3FB6]  }
0x2e: {  	s3 =	simm.s32 @!p0 $0x1082;
	s9 =	sld [smem:$0x3FB7]  }
0x2f: {  	lr =	sadd.s32 s0, s3;
	s0 =	sld [smem:$0x3FAE]  }
0x30: {  	s3 =	sld [smem:$0x3FB1]  }
0x31: {  	[smem:$0x3FBA] =	sst s10  }
0x32: {  	s10 =	sld [smem:$0x3FB8];
	_ =	sdelay $0x3  }
0x33: {  	p0 =	seq.s32 s10, $0x1;
	s10 =	sld [smem:$0x3FBA];
	_ =	sdelay $0x3  }
0x34: {  	[smem:$0x3FBA] =	sst s10  }
0x35: {  	s10 =	sld [smem:$0x3FB9];
	_ =	sdelay $0x3  }
0x36: {  	p1 =	seq.s32 s10, $0x1;
	s10 =	sld [smem:$0x3FBA];
	_ =	sdelay $0x3  }
0x37: {  	[smem:$0x3FBA] =	sst s10  }
0x38: {  	s10 =	sld [smem:$0x3FBB]  }
0x39: {  	_ = 	snop;
	(pc) =	sbr.ind lr, $3  }
0x3a: {  	_ = 	snop  }
0x3b: {  	_ = 	snop  }
0x3c: {  	p2 =	seq.s32 s10, $0x1;
	s10 =	sld [smem:$0x3FBA]  }
0x3d: {  	_ =	shalt  }
0x3e: {  	_ =	shalt  }
0x3f: {  	_ =	shalt  }
0x40: {  	_ =	shalt  }
0x41: {  	_ =	shalt  }
0x42: {  	_ =	shalt  }
0x43: {  	_ =	shalt  }
0x44: {  	_ =	shalt  }
0x45: {  	_ =	shalt  }
0x46: {  	_ =	shalt  }
0x47: {  	_ =	shalt  }
0x48: {  	_ =	shalt  }
0x49: {  	_ =	shalt  }
0x4a: {  	_ =	shalt  }
0x4b: {  	_ =	shalt  }
0x4c: {  	_ =	shalt  }
0x4d: {  	_ =	shalt  }
0x4e: {  	_ =	shalt  }
0x4f: {  	_ =	shalt  }
0x50: {  	_ =	shalt  }
0x51: {  	_ =	shalt  }
0x52: {  	_ =	shalt  }
0x53: {  	_ =	shalt  }
0x54: {  	_ =	shalt  }
0x55: {  	_ =	shalt  }
0x56: {  	_ =	shalt  }
0x57: {  	_ =	shalt  }
0x58: {  	_ =	shalt  }
0x59: {  	_ =	shalt  }
0x5a: {  	_ =	shalt  }
0x5b: {  	_ =	shalt  }
0x5c: {  	_ =	shalt  }
0x5d: {  	_ =	shalt  }
0x5e: {  	_ =	shalt  }
0x5f: {  	_ =	shalt  }
0x60: {  	_ =	shalt  }
0x61: {  	_ =	shalt  }
0x62: {  	_ =	shalt  }
0x63: {  	_ =	shalt  }
0x64: {  	_ =	shalt  }
0x65: {  	_ =	shalt  }
0x66: {  	_ =	shalt  }
0x67: {  	_ =	shalt  }
0x68: {  	_ =	shalt  }
0x69: {  	_ =	shalt  }
0x6a: {  	_ =	shalt  }
0x6b: {  	_ =	shalt  }
0x6c: {  	_ =	shalt  }
0x6d: {  	_ =	shalt  }
0x6e: {  	_ =	shalt  }
0x6f: {  	_ =	shalt  }
0x70: {  	_ =	shalt  }
0x71: {  	_ =	shalt  }
0x72: {  	_ =	shalt  }
0x73: {  	_ =	shalt  }
0x74: {  	_ =	shalt  }
0x75: {  	_ =	shalt  }
0x76: {  	_ =	shalt  }
0x77: {  	_ =	shalt  }
0x78: {  	_ =	shalt  }
0x79: {  	_ =	shalt  }
0x7a: {  	_ =	shalt  }
0x7b: {  	_ =	shalt  }
0x7c: {  	_ =	shalt  }
0x7d: {  	_ =	shalt  }
0x7e: {  	_ =	shalt  }
0x7f: {  	_ =	shalt  }
0x80: {  	_ =	shalt  }
0x81: {  	_ =	shalt  }
0x82: {  	_ =	shalt  }
0x83: {  	_ =	shalt  }
0x84: {  	_ =	shalt  }
0x85: {  	_ =	shalt  }
0x86: {  	_ =	shalt  }
0x87: {  	_ =	shalt  }
.Lfunc_end0:
.L_simem_size_0:
called_computation_lowered:
.L_overlay_start_0:
0x88: {  	s2 =	sld [smem:$0x3FD9]  }
0x89: {  	s3 =	sld [smem:$0x3FFE];
	_ =	sdelay $0x1  }
0x8a: {  	s1 =	srdreg.scid  }
0x8b: {  	s0 =	sand.u32 $0x1, s1  }
0x8c: {  	s14 =	sshll.u32 s0, $0xA;
	s2 =	sadd.s32 s3, s2  }
0x8d: {  	s2 =	sadd.s32 s2, s14  }
0x8e: {  	[smem:$0x3FC6] =	sst s2  }
0x8f: {  	_ = 	snop  }
0x90: {  	s2 =	sld [smem:$0x3FD0];
	_ =	sdelay $0x2  }
0x91: {  	s15 =	simm.s32 $0xA;
	s4 =	simm.s32 $0x10  }
0x92: {  	[smem:s4], [sflag:s15] =	dma.local [hbm:s2], $0x1  }
0x93: {  	_ =	swait.eq [sflag:s15], $0x1  }
0x94: {  	[sflag:s15] =	ssyncset.done $0x0  }
0x95: {  	[sflag:s15] =	ssyncadd.s32 $0xFFFFFFFF  }
0x96: {  	s16 =	sld [smem:$0x10];
	(tm) =	ssettm $0x1  }
0x97: {  	s17 =	sld [smem:$0x3FFB];
	_ =	sdelay $0x3  }
0x98: {  	_ =	strace s17  }
0x99: {  	s3 =	sld [smem:$0x3FFC];
	_ =	sdelay $0x3  }
0x9a: {  	_ =	strace s3  }
0x9b: {  	s3 =	sld [smem:$0x3FFD];
	_ =	sdelay $0x3  }
0x9c: {  	_ =	strace s3  }
0x9d: {  	_ =	strace $0x8FFFFFFF  }
0x9e: {  	s18 =	sld [smem:$0x3FDB];
	_ =	sdelay $0x1  }
0x9f: {  	s19 =	simm.s32 $_scs_section_size  }
0xa0: {  	s5 =	simm.s32 $_size__tile_overlayer_lowered;
	s6 =	simm.s32 $_tile_overlayer_lowered  }
0xa1: {  	s22 =	simm.s32 $0x1BFF;
	s21 =	sshll.u32 s6, $0x1;
	s3 =	sadd.s32 s19, s18  }
0xa2: {  	s7 =	simm.s32 $0x0;
	s20 =	sshll.u32 s5, $0x1;
	s5 =	sadd.s32 s21, s3  }
0xa3: {  	[timem:s7], [sflag:s22] =	dma.local [hbm:s5], s20  }
0xa4: {  	_ =	swait.ge [sflag:s22], s20  }
0xa5: {  	s4 =	ssub.s32 $0x0, s20;
	[sflag:s22] =	ssyncset.done $0x0  }
0xa6: {  	[sflag:s22] =	ssyncadd.s32 s4;
	_ =	sdelay $0x1  }
0xa7: {  	s23 =	simm.s32 $0x1B8B  }
0xa8: {  	_ =	swait.ge [sflag:s23], $0x1  }
0xa9: {  	[sflag:s23] =	ssyncset.done $0x0  }
0xaa: {  	s25 =	simm.s32 $0x1B8E;
	s24 =	sld [smem:$0x3FFE];
	[sflag:s23] =	ssyncadd.s32 $0xFFFFFFFF  }
0xab: {  	s26 =	simm.s32 $execute0_lowered;
	[smem:$0x3FD2] =	sst s25  }
0xac: {  	s5 =	sshll.u32 s26, $0x1;
	_ =	strace $0x80000046;
	[dreg:$0x1] =	wrdreg $0xFFFFFFFF  }
0xad: {  	s28 =	simm.s32 $_size_execute0_lowered;
	s3 =	sadd.s32 s3, s5;
	[dreg:$0x0] =	wrdreg $0x0  }
0xae: {  	s5 =	sshll.u32 s28, $0x1;
	[dreg:$0x2] =	wrdreg s3  }
0xaf: {  	[dreg:$0x3] =	wrdreg s5  }
0xb0: {  	[dreg:$0x4] =	wrdreg $0xC0  }
0xb1: {  	_ =	task [dreg:s7], $0x5FFFF  }
0xb2: {  	[dreg:$0x1] =	wrdreg $0xFFFFFFFF  }
0xb3: {  	[dreg:$0x0] =	wrdreg $0x60  }
0xb4: {  	[dreg:$0x2] =	wrdreg s24  }
0xb5: {  	[dreg:$0x3] =	wrdreg s16  }
0xb6: {  	[dreg:$0x4] =	wrdreg $0x9  }
0xb7: {  	_ =	task.clear_ibuf [dreg:s7], $0x5FFFF;
	_ =	strace $0x90000046  }
0xb8: {  	s29 =	simm.s32 $0x9;
	_ =	strace $0x80000048  }
0xb9: {  	_ =	swait.ge [sflag:s29], $0x1  }
0xba: {  	[sflag:s29] =	ssyncadd.s32 $0xFFFFFFFF  }
0xbb: {  	_ =	strace $0x90000048  }
0xbc: {  	_ =	sfence  }
0xbd: {  	s30 =	sld [smem:$0x0];
	_ =	sdelay $0x2  }
0xbe: {  	s31 =	sshll.u32 s1, $0xD;
	s1 =	sshrl.u32 s1, $0x2  }
0xbf: {  	s3 =	sand.u32 $0x4000, s31;
	s1 =	sadd.s32 s1, s30  }
0xc0: {  	s0 =	sor.u32 s3, s0;
	s1 =	sshll.u32 s1, $0x11  }
0xc1: {  	s0 =	sor.u32 s1, s0  }
0xc2: {  	s0 =	sadd.s32 $0x8F2B, s0  }
0xc3: {  	[sflag:s0] =	ssyncadd.remote.s32 $0x1  }
0xc4: {  	_ =	sfence.sel $0xFFFF  }
0xc5: {  	[dreg:$0x0] =	wrdreg $0xFFFFFFFF;
	(pc) =	sbr.abs _section_cstart, $3  }
0xc6: {  	[dreg:$0x1] =	wrdreg $0xFFFFFFFF  }
0xc7: {  	_ =	task.clear_ibuf [dreg:s7], $0x2FFFF;
	_ =	strace $0x9FFFFFFF  }
0xc8: {  	(tm) =	ssettm $0x7FFFFFFF  }
0xc9: {  	_ =	shalt  }
tec
execute0_lowered:
.L_overlay_start_1:
0x0: {  	(tag) =	ssettag $0x1  }
0x1: {  	s1 =	srdreg.scid;
	s0 =	stileid.u32  }
0x2: {  	s1 =	sand.u32 $0x1, s1;
	s3 =	sshll.u32 s0, $0x1  }
0x3: {  	s4 =	sor.u32 s1, s3  }
0x4: {  	s2 =	rddreg [dreg:$0x0];
	s6 =	smul.u32 $0x90, s4  }
0x5: {  	s5 =	rddreg [dreg:$0x1];
	s3 =	simm.s32 $0x0;
	s7 =	smul.u32 $0x2400, s4  }
0x6: {  	[smem:$0x7FF] =	sst s3;
	s4 =	smul.u32 $0x12000, s4  }
0x7: {  	_ =	strace $0x80000047;
	s6 =	sadd.s32 s6, s2;
	s24 =	sadd.s32 s5, s7  }
0x8: {  	s4 =	sshrl.u32 s4, $0x3;
	s6 =	sadd.s32 $0x2000, s6;
	[dreg:$0x4] =	wrdreg s24  }
0x9: {  	s31 =	sadd.s32 s5, s4;
	[dreg:$0x3] =	wrdreg s6  }
0xa: {  	s4 =	sadd.s32 $0x400, s31;
	s25 =	rddreg [dreg:$0x3]  }
0xb: {  	s26 =	sadd.s32 $0x800, s31;
	[dreg:$0x5] =	wrdreg s4  }
0xc: {  	[dreg:$0x6] =	wrdreg s26;
	s4 =	simm.s32 $0x9  }
0xd: {  	[tilespmem:s3], [sflag:$0x9] =	stream.linear.gather [hbm4b:s25+s3], $0x480, $0x38;
	[tilespmem:$0x8480] =	vst v63  }
0xe: {  	_ =	swait.ge [sflag:s4], $0x480  }
0xf: {  	[sflag:s4] =	ssyncset.done $0x0  }
0x10: {  	s5 =	simm.s32 $0x80;
	s6 =	simm.s32 $0x480;
	[sflag:s4] =	ssyncadd.s32 $0xFFFFFB80  }
0x11: {  	[tilespmem:s6], [sflag:$0x1] =	stream.indirect.gather [hbm4b:s2+s5], $0x40, s3, s5, $0xb8;
	[tilespmem:$0x8480] =	vst v63  }
0x12: {  	s7 =	simm.s32 $0x2480  }
0x13: {  	[tilespmem:s7], [sflag:$0x2] =	stream.indirect.gather [hbm4b:s2+s5], $0x40, s5, s5, $0xb8;
	[tilespmem:$0x8480] =	vst v63  }
0x14: {  	s8 =	simm.s32 $0x100;
	s9 =	simm.s32 $0x4480  }
0x15: {  	[tilespmem:s9], [sflag:$0x3] =	stream.indirect.gather [hbm4b:s2+s5], $0x40, s8, s5, $0xb8;
	[tilespmem:$0x8480] =	vst v63  }
0x16: {  	s10 =	simm.s32 $0x180;
	s11 =	simm.s32 $0x6480;
	s12 =	simm.s32 $0x1  }
0x17: {  	[tilespmem:s11], [sflag:$0x4] =	stream.indirect.gather [hbm4b:s2+s5], $0x40, s10, s5, $0xb8;
	[tilespmem:$0x8480] =	vst v63  }
0x18: {  	_ =	swait.ge [sflag:s12], $0x2000  }
0x19: {  	[sflag:s12] =	ssyncset.done $0x0  }
0x1a: {  	s13 =	simm.s32 $0x5;
	s14 =	rddreg [dreg:$0x4];
	[sflag:s12] =	ssyncadd.s32 $0xFFFFE000  }
0x1b: {  	[hbm4b:s14+s3] =	stream.linear.scatter [tilespmem:s6], [sflag:$0x5], $0x2000, $0x38;
	[tilespmem:$0x8480] =	vst v63  }
0x1c: {  	_ =	swait.ge [sflag:s13], $0x2000  }
0x1d: {  	[sflag:s13] =	ssyncset.done $0x0  }
0x1e: {  	s15 =	simm.s32 $0x2;
	s14 =	simm.s32 $0x200;
	[sflag:s13] =	ssyncadd.s32 $0xFFFFE000  }
0x1f: {  	[tilespmem:s6], [sflag:$0x1] =	stream.indirect.gather [hbm4b:s2+s5], $0x40, s14, s5, $0xb8;
	[tilespmem:$0x8480] =	vst v63  }
0x20: {  	_ =	swait.ge [sflag:s15], $0x2000  }
0x21: {  	[sflag:s15] =	ssyncset.done $0x0  }
0x22: {  	s16 =	simm.s32 $0x6;
	s17 =	rddreg [dreg:$0x5];
	[sflag:s15] =	ssyncadd.s32 $0xFFFFE000  }
0x23: {  	[hbm4b:s17+s3] =	stream.linear.scatter [tilespmem:s7], [sflag:$0x6], $0x2000, $0x38;
	[tilespmem:$0x8480] =	vst v63  }
0x24: {  	_ =	swait.ge [sflag:s16], $0x2000  }
0x25: {  	[sflag:s16] =	ssyncset.done $0x0  }
0x26: {  	s18 =	simm.s32 $0x3;
	s17 =	simm.s32 $0x280;
	[sflag:s16] =	ssyncadd.s32 $0xFFFFE000  }
0x27: {  	[tilespmem:s7], [sflag:$0x2] =	stream.indirect.gather [hbm4b:s2+s5], $0x40, s17, s5, $0xb8;
	[tilespmem:$0x8480] =	vst v63  }
0x28: {  	_ =	swait.ge [sflag:s18], $0x2000  }
0x29: {  	[sflag:s18] =	ssyncset.done $0x0  }
0x2a: {  	s19 =	simm.s32 $0x7;
	s20 =	rddreg [dreg:$0x6];
	[sflag:s18] =	ssyncadd.s32 $0xFFFFE000  }
0x2b: {  	[hbm4b:s20+s3] =	stream.linear.scatter [tilespmem:s9], [sflag:$0x7], $0x2000, $0x38;
	[tilespmem:$0x8480] =	vst v63  }
0x2c: {  	_ =	swait.ge [sflag:s19], $0x2000  }
0x2d: {  	[sflag:s19] =	ssyncset.done $0x0  }
0x2e: {  	s21 =	simm.s32 $0x4;
	s20 =	simm.s32 $0x300;
	[sflag:s19] =	ssyncadd.s32 $0xFFFFE000  }
0x2f: {  	[tilespmem:s9], [sflag:$0x3] =	stream.indirect.gather [hbm4b:s2+s5], $0x40, s20, s5, $0xb8;
	[tilespmem:$0x8480] =	vst v63  }
0x30: {  	_ =	swait.ge [sflag:s21], $0x2000  }
0x31: {  	[sflag:s21] =	ssyncset.done $0x0  }
0x32: {  	s22 =	simm.s32 $0x8;
	s23 =	sadd.s32 $0xC00, s31;
	[sflag:s21] =	ssyncadd.s32 $0xFFFFE000  }
0x33: {  	[hbm4b:s23+s3] =	stream.linear.scatter [tilespmem:s11], [sflag:$0x8], $0x2000, $0x38;
	[tilespmem:$0x8480] =	vst v63  }
0x34: {  	_ =	swait.ge [sflag:s22], $0x2000  }
0x35: {  	[sflag:s22] =	ssyncset.done $0x0  }
0x36: {  	s24 =	simm.s32 $0x380;
	[sflag:s22] =	ssyncadd.s32 $0xFFFFE000  }
0x37: {  	[tilespmem:s11], [sflag:$0x4] =	stream.indirect.gather [hbm4b:s2+s5], $0x40, s24, s5, $0xb8;
	[tilespmem:$0x8480] =	vst v63  }
0x38: {  	_ =	swait.ge [sflag:s12], $0x2000  }
0x39: {  	[sflag:s12] =	ssyncset.done $0x0  }
0x3a: {  	s25 =	sadd.s32 $0x1000, s31;
	[sflag:s12] =	ssyncadd.s32 $0xFFFFE000  }
0x3b: {  	[hbm4b:s25+s3] =	stream.linear.scatter [tilespmem:s6], [sflag:$0x5], $0x2000, $0x38;
	[tilespmem:$0x8480] =	vst v63  }
0x3c: {  	_ =	swait.ge [sflag:s13], $0x2000  }
0x3d: {  	[sflag:s13] =	ssyncset.done $0x0  }
0x3e: {  	s26 =	simm.s32 $0x400;
	[sflag:s13] =	ssyncadd.s32 $0xFFFFE000  }
0x3f: {  	[tilespmem:s6], [sflag:$0x1] =	stream.indirect.gather [hbm4b:s2+s5], $0x40, s26, s5, $0xb8;
	[tilespmem:$0x8480] =	vst v63  }
0x40: {  	_ =	swait.ge [sflag:s15], $0x2000  }
0x41: {  	[sflag:s15] =	ssyncset.done $0x0  }
0x42: {  	s28 =	sadd.s32 $0x1400, s31;
	[sflag:s15] =	ssyncadd.s32 $0xFFFFE000  }
0x43: {  	[hbm4b:s28+s3] =	stream.linear.scatter [tilespmem:s7], [sflag:$0x6], $0x2000, $0x38;
	[tilespmem:$0x8480] =	vst v63  }
0x44: {  	_ =	swait.ge [sflag:s18], $0x2000  }
0x45: {  	[sflag:s18] =	ssyncset.done $0x0  }
0x46: {  	s29 =	sadd.s32 $0x1800, s31;
	[sflag:s18] =	ssyncadd.s32 $0xFFFFE000  }
0x47: {  	[hbm4b:s29+s3] =	stream.linear.scatter [tilespmem:s9], [sflag:$0x7], $0x2000, $0x38;
	[tilespmem:$0x8480] =	vst v63  }
0x48: {  	_ =	swait.ge [sflag:s21], $0x2000  }
0x49: {  	[sflag:s21] =	ssyncset.done $0x0  }
0x4a: {  	s30 =	sadd.s32 $0x1C00, s31;
	[sflag:s21] =	ssyncadd.s32 $0xFFFFE000  }
0x4b: {  	[hbm4b:s30+s3] =	stream.linear.scatter [tilespmem:s11], [sflag:$0x8], $0x2000, $0x38;
	[tilespmem:$0x8480] =	vst v63  }
0x4c: {  	_ =	swait.ge [sflag:s12], $0x2000  }
0x4d: {  	[sflag:s12] =	ssyncset.done $0x0  }
0x4e: {  	s31 =	sadd.s32 $0x2000, s31;
	[sflag:s12] =	ssyncadd.s32 $0xFFFFE000  }
0x4f: {  	[hbm4b:s31+s3] =	stream.linear.scatter [tilespmem:s6], [sflag:$0x5], $0x2000, $0x38;
	[tilespmem:$0x8480] =	vst v63  }
0x50: {  	s1 =	ssub.s32 $0x2, s1;
	_ =	swait.ge [sflag:s13], $0x2000  }
0x51: {  	s0 =	sshrl.u32 s1, $0x1;
	[sflag:s13] =	ssyncset.done $0x0  }
0x52: {  	s0 =	ssub.s32 s1, s0;
	[sflag:s13] =	ssyncadd.s32 $0xFFFFE000  }
0x53: {  	s0 =	smax.u32 s0, $0x1;
	_ =	swait.ge [sflag:s16], $0x2000  }
0x54: {  	p0 =	sne.s32 s0, $0x1;
	[sflag:s16] =	ssyncset.done $0x0  }
.Ltmp0:
0x55: {  	[sflag:s16] =	ssyncadd.s32 $0xFFFFE000;
	(pc) =	sbr.rel @!p0 .LBB2_2-.Ltmp0, $4  }
0x56: {  	_ =	swait.ge [sflag:s19], $0x2000  }
0x57: {  	[sflag:s19] =	ssyncset.done $0x0  }
0x58: {  	[sflag:s19] =	ssyncadd.s32 $0xFFFFE000  }
0x59: {  	s1 =	sadd.s32 $0xFFFFFFFF, s0;
	_ =	swait.ge [sflag:s22], $0x2000  }
.LBB2_1:
0x5a: {  	[sflag:s22] =	ssyncset.done $0x0  }
0x5b: {  	s0 =	rddreg [dreg:$0x3];
	[sflag:s22] =	ssyncadd.s32 $0xFFFFE000  }
0x5c: {  	[tilespmem:s3], [sflag:$0x9] =	stream.linear.gather [hbm4b:s0+s3], $0x480, $0x38;
	[tilespmem:$0x8480] =	vst v63  }
0x5d: {  	_ =	swait.ge [sflag:s4], $0x480  }
0x5e: {  	[sflag:s4] =	ssyncset.done $0x0  }
0x5f: {  	[sflag:s4] =	ssyncadd.s32 $0xFFFFFB80  }
0x60: {  	[tilespmem:s6], [sflag:$0x1] =	stream.indirect.gather [hbm4b:s2+s5], $0x40, s3, s5, $0xb8;
	[tilespmem:$0x8480] =	vst v63  }
0x61: {  	_ = 	snop  }
0x62: {  	[tilespmem:s7], [sflag:$0x2] =	stream.indirect.gather [hbm4b:s2+s5], $0x40, s5, s5, $0xb8;
	[tilespmem:$0x8480] =	vst v63  }
0x63: {  	_ = 	snop  }
0x64: {  	[tilespmem:s9], [sflag:$0x3] =	stream.indirect.gather [hbm4b:s2+s5], $0x40, s8, s5, $0xb8;
	[tilespmem:$0x8480] =	vst v63  }
0x65: {  	_ = 	snop  }
0x66: {  	[tilespmem:s11], [sflag:$0x4] =	stream.indirect.gather [hbm4b:s2+s5], $0x40, s10, s5, $0xb8;
	[tilespmem:$0x8480] =	vst v63  }
0x67: {  	_ =	swait.ge [sflag:s12], $0x2000  }
0x68: {  	[sflag:s12] =	ssyncset.done $0x0  }
0x69: {  	s0 =	rddreg [dreg:$0x4];
	[sflag:s12] =	ssyncadd.s32 $0xFFFFE000  }
0x6a: {  	[hbm4b:s0+s3] =	stream.linear.scatter [tilespmem:s6], [sflag:$0x5], $0x2000, $0x38;
	[tilespmem:$0x8480] =	vst v63  }
0x6b: {  	_ =	swait.ge [sflag:s13], $0x2000  }
0x6c: {  	[sflag:s13] =	ssyncset.done $0x0  }
0x6d: {  	[sflag:s13] =	ssyncadd.s32 $0xFFFFE000  }
0x6e: {  	[tilespmem:s6], [sflag:$0x1] =	stream.indirect.gather [hbm4b:s2+s5], $0x40, s14, s5, $0xb8;
	[tilespmem:$0x8480] =	vst v63  }
0x6f: {  	_ =	swait.ge [sflag:s15], $0x2000  }
0x70: {  	[sflag:s15] =	ssyncset.done $0x0  }
0x71: {  	s0 =	rddreg [dreg:$0x5];
	[sflag:s15] =	ssyncadd.s32 $0xFFFFE000  }
0x72: {  	[hbm4b:s0+s3] =	stream.linear.scatter [tilespmem:s7], [sflag:$0x6], $0x2000, $0x38;
	[tilespmem:$0x8480] =	vst v63  }
0x73: {  	_ =	swait.ge [sflag:s16], $0x2000  }
0x74: {  	[sflag:s16] =	ssyncset.done $0x0  }
0x75: {  	[sflag:s16] =	ssyncadd.s32 $0xFFFFE000  }
0x76: {  	[tilespmem:s7], [sflag:$0x2] =	stream.indirect.gather [hbm4b:s2+s5], $0x40, s17, s5, $0xb8;
	[tilespmem:$0x8480] =	vst v63  }
0x77: {  	_ =	swait.ge [sflag:s18], $0x2000  }
0x78: {  	[sflag:s18] =	ssyncset.done $0x0  }
0x79: {  	s0 =	rddreg [dreg:$0x6];
	[sflag:s18] =	ssyncadd.s32 $0xFFFFE000  }
0x7a: {  	[hbm4b:s0+s3] =	stream.linear.scatter [tilespmem:s9], [sflag:$0x7], $0x2000, $0x38;
	[tilespmem:$0x8480] =	vst v63  }
0x7b: {  	_ =	swait.ge [sflag:s19], $0x2000  }
0x7c: {  	[sflag:s19] =	ssyncset.done $0x0  }
0x7d: {  	[sflag:s19] =	ssyncadd.s32 $0xFFFFE000  }
0x7e: {  	[tilespmem:s9], [sflag:$0x3] =	stream.indirect.gather [hbm4b:s2+s5], $0x40, s20, s5, $0xb8;
	[tilespmem:$0x8480] =	vst v63  }
0x7f: {  	_ =	swait.ge [sflag:s21], $0x2000  }
0x80: {  	[sflag:s21] =	ssyncset.done $0x0  }
0x81: {  	[sflag:s21] =	ssyncadd.s32 $0xFFFFE000  }
0x82: {  	[hbm4b:s23+s3] =	stream.linear.scatter [tilespmem:s11], [sflag:$0x8], $0x2000, $0x38;
	[tilespmem:$0x8480] =	vst v63  }
0x83: {  	_ =	swait.ge [sflag:s22], $0x2000  }
0x84: {  	[sflag:s22] =	ssyncset.done $0x0  }
0x85: {  	[sflag:s22] =	ssyncadd.s32 $0xFFFFE000  }
0x86: {  	[tilespmem:s11], [sflag:$0x4] =	stream.indirect.gather [hbm4b:s2+s5], $0x40, s24, s5, $0xb8;
	[tilespmem:$0x8480] =	vst v63  }
0x87: {  	_ =	swait.ge [sflag:s12], $0x2000  }
0x88: {  	[sflag:s12] =	ssyncset.done $0x0  }
0x89: {  	[sflag:s12] =	ssyncadd.s32 $0xFFFFE000  }
0x8a: {  	[hbm4b:s25+s3] =	stream.linear.scatter [tilespmem:s6], [sflag:$0x5], $0x2000, $0x38;
	[tilespmem:$0x8480] =	vst v63  }
0x8b: {  	_ =	swait.ge [sflag:s13], $0x2000  }
0x8c: {  	[sflag:s13] =	ssyncset.done $0x0  }
0x8d: {  	[sflag:s13] =	ssyncadd.s32 $0xFFFFE000  }
0x8e: {  	[tilespmem:s6], [sflag:$0x1] =	stream.indirect.gather [hbm4b:s2+s5], $0x40, s26, s5, $0xb8;
	[tilespmem:$0x8480] =	vst v63  }
0x8f: {  	_ =	swait.ge [sflag:s15], $0x2000  }
0x90: {  	[sflag:s15] =	ssyncset.done $0x0  }
0x91: {  	[sflag:s15] =	ssyncadd.s32 $0xFFFFE000  }
0x92: {  	[hbm4b:s28+s3] =	stream.linear.scatter [tilespmem:s7], [sflag:$0x6], $0x2000, $0x38;
	[tilespmem:$0x8480] =	vst v63  }
0x93: {  	_ =	swait.ge [sflag:s18], $0x2000  }
0x94: {  	[sflag:s18] =	ssyncset.done $0x0  }
0x95: {  	[sflag:s18] =	ssyncadd.s32 $0xFFFFE000  }
0x96: {  	[hbm4b:s29+s3] =	stream.linear.scatter [tilespmem:s9], [sflag:$0x7], $0x2000, $0x38;
	[tilespmem:$0x8480] =	vst v63  }
0x97: {  	_ =	swait.ge [sflag:s21], $0x2000  }
0x98: {  	[sflag:s21] =	ssyncset.done $0x0  }
0x99: {  	[sflag:s21] =	ssyncadd.s32 $0xFFFFE000  }
0x9a: {  	[hbm4b:s30+s3] =	stream.linear.scatter [tilespmem:s11], [sflag:$0x8], $0x2000, $0x38;
	[tilespmem:$0x8480] =	vst v63  }
0x9b: {  	_ =	swait.ge [sflag:s12], $0x2000  }
0x9c: {  	[sflag:s12] =	ssyncset.done $0x0  }
0x9d: {  	[sflag:s12] =	ssyncadd.s32 $0xFFFFE000  }
0x9e: {  	[hbm4b:s31+s3] =	stream.linear.scatter [tilespmem:s6], [sflag:$0x5], $0x2000, $0x38;
	[tilespmem:$0x8480] =	vst v63  }
0x9f: {  	_ =	swait.ge [sflag:s13], $0x2000  }
0xa0: {  	[sflag:s13] =	ssyncset.done $0x0  }
0xa1: {  	[sflag:s13] =	ssyncadd.s32 $0xFFFFE000  }
0xa2: {  	_ =	swait.ge [sflag:s16], $0x2000  }
0xa3: {  	p0 =	sne.s32 s1, $0x1;
	[sflag:s16] =	ssyncset.done $0x0  }
.Ltmp1:
0xa4: {  	[sflag:s16] =	ssyncadd.s32 $0xFFFFE000;
	(pc) =	sbr.rel @p0 .LBB2_1-.Ltmp1, $4  }
0xa5: {  	_ =	swait.ge [sflag:s19], $0x2000  }
0xa6: {  	[sflag:s19] =	ssyncset.done $0x0  }
0xa7: {  	[sflag:s19] =	ssyncadd.s32 $0xFFFFE000  }
0xa8: {  	s1 =	sadd.s32 $0xFFFFFFFF, s1;
	_ =	swait.ge [sflag:s22], $0x2000  }
.LBB2_2:
0xa9: {  	[sflag:s22] =	ssyncset.done $0x0  }
0xaa: {  	[sflag:s22] =	ssyncadd.s32 $0xFFFFE000  }
0xab: {  	_ =	sfence.sel $0x180000  }
0xac: {  	[bflag:$0x0] =	sbarrier.arrive $0xFFFF  }
0xad: {  	_ =	strace $0x90000047  }
0xae: {  	s0 =	stileid.u32;
	[bflag:$0x2] =	sbarrier.arrive $0xFFFF  }
0xaf: {  	p0 =	sne.s32 s0, $0x0;
	s0 =	rddreg [dreg:$0x2]  }
0xb0: {  	s0 =	sadd.s32 @!p0 $0x100000, s0  }
0xb1: {  	[sflag:s0] =	ssyncadd.tile.s32 @!p0 $0x1;
	_ =	shalt  }
.Lfunc_end2:
_tile_overlayer_lowered:
.L_overlay_start_2:
0xb2: {  	(tag) =	ssettag $0x2  }
0xb3: {  	s0 =	rddreg [dreg:$0x0];
	s2 =	stileid.u32  }
0xb4: {  	s1 =	rddreg [dreg:$0x1];
	p0 =	sne.s32 s2, $0x0  }
0xb5: {  	s3 =	rddreg [dreg:$0x2];
	[bflag:$0x3] =	sbarrier.arrive $0xFFFF;
	s2 =	simm.s32 @!p0 $0x1C09  }
0xb6: {  	[timem:s3], [sflag:s2] =	dma.local @!p0 [hbm:s0], s1  }
0xb7: {  	s0 =	simm.s32 @!p0 $0x9  }
0xb8: {  	_ =	swait.ge @!p0 [sflag:s0], s1  }
0xb9: {  	s1 =	ssub.s32 @!p0 $0x0, s1;
	[sflag:s0] =	ssyncset.done @!p0 $0x0  }
0xba: {  	[sflag:s0] =	ssyncadd.s32 @!p0 s1  }
0xbb: {  	[bflag:$0x3] =	sbarrier.arrive $0xFFFF  }
0xbc: {  	_ =	shalt  }

</sc_bundles>
